<compile_context>
chip_gen: v7x
topology: tpu7x:2x2x1
jax: 0.10.2.dev20260603
libtpu: 0.0.44.dev20260713+nightly
codegen_flags: <defaults>
</compile_context>

<pallas_src>
import dataclasses
import functools

import jax
import jax.numpy as jnp
from jax import lax
from jax.experimental import pallas as pl
from jax.experimental.pallas import tpu as pltpu
from jax.experimental.pallas import tpu_sc as plsc

NBINS = 256
NBATCH = 16
NROWS = 4096
NC, NS, L = 2, 16, 16
HROWS = NROWS // 2
CROWS = 128
NCHUNK = HROWS // CROWS
NTAB = 8


def kernel(input, weight):
    mesh = plsc.VectorSubcoreMesh(
        core_axis_name="c", subcore_axis_name="s",
        num_cores=NC, num_subcores=NS)

    cp = pltpu.CompilerParams()
    if "needs_layout_passes" in pltpu.CompilerParams.__dataclass_fields__:
        cp = dataclasses.replace(cp, needs_layout_passes=False)

    @functools.partial(
        pl.kernel,
        mesh=mesh,
        compiler_params=cp,
        out_type=jax.ShapeDtypeStruct((NBATCH, NBINS), jnp.float32),
        scratch_types=[
            pltpu.VMEM((CROWS, NBINS), jnp.float32),
            pltpu.VMEM((CROWS, NBINS), jnp.float32),
            pltpu.VMEM((NBINS,), jnp.float32),
            pltpu.VMEM((NBINS,), jnp.float32),
            pltpu.VMEM((NBINS,), jnp.float32),
            pltpu.VMEM((NBINS,), jnp.float32),
            pltpu.VMEM((NBINS,), jnp.float32),
            pltpu.VMEM((NBINS,), jnp.float32),
            pltpu.VMEM((NBINS,), jnp.float32),
            pltpu.VMEM((NBINS,), jnp.float32),
            pltpu.VMEM((NBINS,), jnp.float32),
            pltpu.VMEM((NBINS,), jnp.float32),
            pltpu.VMEM((NBINS,), jnp.float32),
            pltpu.VMEM((NBINS,), jnp.float32),
            pltpu.VMEM((NBINS,), jnp.float32),
            pltpu.VMEM_SHARED((NS, NBINS), jnp.float32),
            pltpu.SemaphoreType.DMA,
            pltpu.SemaphoreType.DMA,
        ],
    )
    def hist_kernel(x_hbm, w_hbm, out_hbm, buf0, buf1, ht0, ht1, ht2, ht3,
                    ht4, ht5, ht6, ht7,
                    hist, wloc, tmp0, tmp1, outv, shared, sem0, sem1):
        htabs = (ht0, ht1, ht2, ht3, ht4, ht5, ht6, ht7)
        c = lax.axis_index("c")
        s = lax.axis_index("s")
        b = 8 * c + s // 2
        h = s % 2
        row0 = h * HROWS

        def src(k):
            return x_hbm.at[b, pl.ds(row0 + k * CROWS, CROWS), :]

        zeros16 = jnp.zeros((L,), jnp.float32)
        ones16 = jnp.ones((L,), jnp.float32)

        pltpu.async_copy(src(0), buf0, sem0)

        @pl.loop(0, NBINS, step=L)
        def _(i):
            for t in range(NTAB):
                htabs[t][pl.ds(i, L)] = zeros16

        pltpu.sync_copy(w_hbm, wloc)

        def process(bref):
            @plsc.parallel_loop(0, CROWS, unroll=4)
            def _(r):
                xs = [bref[r, pl.ds(u * L, L)] for u in range(NBINS // L)]
                ids = [(xv * jnp.float32(NBINS)).astype(jnp.int32)
                       for xv in xs]
                for u in range(NBINS // L):
                    plsc.addupdate_scatter(htabs[u % NTAB], [ids[u]], ones16)

        @pl.loop(0, NCHUNK, step=2)
        def _(k):
            pltpu.async_copy(src(k + 1), buf1, sem1)
            pltpu.make_async_copy(src(k), buf0, sem0).wait()
            process(buf0)

            @pl.when(k + 2 < NCHUNK)
            def _():
                pltpu.async_copy(src(k + 2), buf0, sem0)

            pltpu.make_async_copy(src(k + 1), buf1, sem1).wait()
            process(buf1)

        @pl.loop(0, NBINS, step=L)
        def _(i):
            acc = htabs[0][pl.ds(i, L)]
            for t in range(1, NTAB):
                acc = acc + htabs[t][pl.ds(i, L)]
            hist[pl.ds(i, L)] = acc

        pltpu.sync_copy(hist, shared.at[s])
        plsc.subcore_barrier()

        @pl.when(s < 8)
        def _():
            pltpu.sync_copy(shared.at[2 * s], tmp0)
            pltpu.sync_copy(shared.at[2 * s + 1], tmp1)

            @pl.loop(0, NBINS, step=L)
            def _(i):
                slc = pl.ds(i, L)
                outv[slc] = (tmp0[slc] + tmp1[slc]) * wloc[slc]

            pltpu.sync_copy(outv, out_hbm.at[8 * c + s])

    return hist_kernel(input, weight)

# --- scband reference (transcript-rebuilt; emitter-appended) ---
"""Pipeline reference for scband-histogram-63668595196221 (READ-ONLY COPY).

The authoritative reference and input builder live on the scoring server;
editing this copy changes nothing except your own understanding.
"""

import jax, jax.numpy as jnp
import numpy as np

BINS = 256

def setup_inputs(seed: int = 0) -> dict:
    key = jax.random.key(seed)
    k1, k2 = jax.random.split(key)
    x = jax.random.uniform(k1, (16, 4096, 256), dtype=jnp.float32)
    weight = jax.random.uniform(k2, (BINS,), dtype=jnp.float32)
    return {"input": x, "weight": weight}

def reference(input, weight):
    # Faithful translation of HistogramFunction.forward:
    #   temp = (input * bins).int()  -> bin index per element
    #   one-hot scatter + sum over points -> per-batch histogram [B, bins]
    #   histograms = histograms * weight
    bins = BINS
    B = input.shape[0]
    idx = jax.lax.stop_gradient((input * bins).astype(jnp.int32)).reshape(B, -1)
    # one-hot scatter_ + sum(1) is mathematically a per-row bincount
    hist = jax.vmap(lambda i: jnp.bincount(i, length=bins))(idx).astype(jnp.float32)
    return hist * weight

if __name__ == "__main__":
    import jax
    _d = setup_inputs()
    print(jax.jit(kernel)(*tuple(_d.values())))

</pallas_src>

<mosaic_0001>
#map = affine_map<(d0, d1) -> (0, 0, 0)>
#map1 = affine_map<(d0, d1) -> (0)>
#map2 = affine_map<(d0, d1) -> (0, 0)>
module attributes {stable_mosaic.version = 14 : i64} {
  func.func @hist_kernel(%arg0: i32, %arg1: i32, %arg2: memref<16x4096x256xf32, #tpu.memory_space<hbm>>, %arg3: memref<256xf32, #tpu.memory_space<hbm>>, %arg4: memref<16x256xf32, #tpu.memory_space<hbm>>, %arg5: memref<128x256xf32, #tpu.memory_space<vmem>>, %arg6: memref<128x256xf32, #tpu.memory_space<vmem>>, %arg7: memref<256xf32, #tpu.memory_space<vmem>>, %arg8: memref<256xf32, #tpu.memory_space<vmem>>, %arg9: memref<256xf32, #tpu.memory_space<vmem>>, %arg10: memref<256xf32, #tpu.memory_space<vmem>>, %arg11: memref<256xf32, #tpu.memory_space<vmem>>, %arg12: memref<256xf32, #tpu.memory_space<vmem>>, %arg13: memref<256xf32, #tpu.memory_space<vmem>>, %arg14: memref<256xf32, #tpu.memory_space<vmem>>, %arg15: memref<256xf32, #tpu.memory_space<vmem>>, %arg16: memref<256xf32, #tpu.memory_space<vmem>>, %arg17: memref<256xf32, #tpu.memory_space<vmem>>, %arg18: memref<256xf32, #tpu.memory_space<vmem>>, %arg19: memref<256xf32, #tpu.memory_space<vmem>>, %arg20: memref<16x256xf32, #tpu.memory_space<vmem_shared>>, %arg21: memref<!tpu.dma_semaphore, #tpu.memory_space<semaphore_mem>>, %arg22: memref<!tpu.dma_semaphore, #tpu.memory_space<semaphore_mem>>) attributes {dimension_semantics = [#tpu.dimension_semantics<core_parallel>, #tpu.dimension_semantics<subcore_parallel>], iteration_bounds = array<i64: 2, 16>, scalar_prefetch = 0 : i64, scratch_operands = 18 : i64, tpu.core_type = #tpu.core_type<sc_vector_subcore>, window_params = [{transform_indices = #map}, {transform_indices = #map1}, {transform_indices = #map2}]} {
    %mul3A = arith.constant 8 : i32
    %mul3A_0 = arith.muli %mul3A, %arg0 : i32
    %jit3A = arith.constant 2 : i32
    %div3A = arith.divsi %arg1, %jit3A : i32
    %sign3A = arith.constant 0 : i32
    %sign3A_1 = arith.cmpi sgt, %arg1, %sign3A : i32
    %sign3A_2 = arith.extui %sign3A_1 : i1 to i32
    %sign3A_3 = arith.constant 0 : i32
    %sign3A_4 = arith.cmpi slt, %arg1, %sign3A_3 : i32
    %sign3A_5 = arith.extui %sign3A_4 : i1 to i32
    %sign3A_6 = arith.subi %sign3A_2, %sign3A_5 : i32
    %sign3A_7 = arith.constant 0 : i32
    %sign3A_8 = arith.cmpi sgt, %jit3A, %sign3A_7 : i32
    %sign3A_9 = arith.extui %sign3A_8 : i1 to i32
    %sign3A_10 = arith.constant 0 : i32
    %sign3A_11 = arith.cmpi slt, %jit3A, %sign3A_10 : i32
    %sign3A_12 = arith.extui %sign3A_11 : i1 to i32
    %sign3A_13 = arith.subi %sign3A_9, %sign3A_12 : i32
    %ne3A = arith.cmpi ne, %sign3A_6, %sign3A_13 : i32
    %rem3A = arith.remsi %arg1, %jit3A : i32
    %ne3A_14 = arith.constant 0 : i32
    %ne3A_15 = arith.cmpi ne, %rem3A, %ne3A_14 : i32
    %and3A = arith.andi %ne3A, %ne3A_15 : i1
    %sub3A = arith.constant 1 : i32
    %sub3A_16 = arith.subi %div3A, %sub3A : i32
    %select_n3A = arith.select %and3A, %sub3A_16, %div3A : i32
    %add3A = arith.addi %mul3A_0, %select_n3A : i32
    %jit3A_17 = arith.constant 2 : i32
    %eq3A = arith.constant 0 : i32
    %eq3A_18 = arith.cmpi eq, %jit3A_17, %eq3A : i32
    %jit3A_19 = arith.constant 1 : i32
    %select_n3A_20 = arith.select %eq3A_18, %jit3A_19, %jit3A_17 : i32
    %rem3A_21 = arith.remsi %arg1, %select_n3A_20 : i32
    %ne3A_22 = arith.constant 0 : i32
    %ne3A_23 = arith.cmpi ne, %rem3A_21, %ne3A_22 : i32
    %lt3A = arith.constant 0 : i32
    %lt3A_24 = arith.cmpi slt, %rem3A_21, %lt3A : i32
    %lt3A_25 = arith.constant 0 : i32
    %lt3A_26 = arith.cmpi slt, %select_n3A_20, %lt3A_25 : i32
    %ne3A_27 = arith.xori %lt3A_24, %lt3A_26 : i1
    %and3A_28 = arith.andi %ne3A_27, %ne3A_23 : i1
    %add3A_29 = arith.addi %rem3A_21, %select_n3A_20 : i32
    %select_n3A_30 = arith.select %and3A_28, %add3A_29, %rem3A_21 : i32
    %mul3A_31 = arith.constant 2048 : i32
    %mul3A_32 = arith.muli %select_n3A_30, %mul3A_31 : i32
    %broadcast_in_dim3A = arith.constant 0.000000e+00 : f32
    %broadcast_in_dim3A_33 = vector.broadcast %broadcast_in_dim3A : f32 to vector<16xf32>
    %broadcast_in_dim3A_34 = arith.constant 1.000000e+00 : f32
    %broadcast_in_dim3A_35 = vector.broadcast %broadcast_in_dim3A_34 : f32 to vector<16xf32>
    %add3A_36 = arith.constant 0 : i32
    %add3A_37 = arith.addi %mul3A_32, %add3A_36 : i32
    %dma_start3A = arith.constant 0 : i32
    %dma_start3A_38 = tpu.memref_slice %arg2[%add3A, %add3A_37, %dma_start3A] : memref<16x4096x256xf32, #tpu.memory_space<hbm>> -> memref<1x128x256xf32, #tpu.memory_space<hbm>>
    %dma_start3A_39 = tpu.memref_squeeze %dma_start3A_38 : memref<1x128x256xf32, #tpu.memory_space<hbm>> -> memref<128x256xf32, #tpu.memory_space<hbm>>
    %dma_start3A_40 = arith.constant 0 : i32
    %dma_start3A_41 = tpu.memref_slice %arg2[%add3A, %add3A_37, %dma_start3A_40] : memref<16x4096x256xf32, #tpu.memory_space<hbm>> -> memref<1x128x256xf32, #tpu.memory_space<hbm>>
    %dma_start3A_42 = tpu.memref_squeeze %dma_start3A_41 : memref<1x128x256xf32, #tpu.memory_space<hbm>> -> memref<128x256xf32, #tpu.memory_space<hbm>>
    tpu.enqueue_dma source(%dma_start3A_42 : memref<128x256xf32, #tpu.memory_space<hbm>>) target(%arg5 : memref<128x256xf32, #tpu.memory_space<vmem>>) target_semaphore(%arg21 : memref<!tpu.dma_semaphore, #tpu.memory_space<semaphore_mem>>)
    %scan3A = arith.constant 0 : i32
    %scan3A_43 = arith.constant 16 : i32
    %scan3A_44 = arith.addi %scan3A, %scan3A_43 : i32
    %scan3A_45 = arith.constant 1 : i32
    scf.for %scan3A_60 = %scan3A to %scan3A_44 step %scan3A_45  : i32 {
      %mul3A_61 = arith.constant 16 : i32
      %mul3A_62 = arith.muli %scan3A_60, %mul3A_61 : i32
      %add3A_63 = arith.constant 0 : i32
      %add3A_64 = arith.addi %add3A_63, %mul3A_62 : i32
      %swap3A = arith.index_cast %add3A_64 : i32 to index
      %swap3A_65 = tpu.vector_load %arg7[%swap3A] {strides = array<i32>} : memref<256xf32, #tpu.memory_space<vmem>>, vector<16xf32>,
      tpu.vector_store %arg7[%swap3A], %broadcast_in_dim3A_33 {strides = array<i32>} : memref<256xf32, #tpu.memory_space<vmem>>, vector<16xf32>,
      %swap3A_66 = arith.index_cast %add3A_64 : i32 to index
      %swap3A_67 = tpu.vector_load %arg8[%swap3A_66] {strides = array<i32>} : memref<256xf32, #tpu.memory_space<vmem>>, vector<16xf32>,
      tpu.vector_store %arg8[%swap3A_66], %broadcast_in_dim3A_33 {strides = array<i32>} : memref<256xf32, #tpu.memory_space<vmem>>, vector<16xf32>,
      %swap3A_68 = arith.index_cast %add3A_64 : i32 to index
      %swap3A_69 = tpu.vector_load %arg9[%swap3A_68] {strides = array<i32>} : memref<256xf32, #tpu.memory_space<vmem>>, vector<16xf32>,
      tpu.vector_store %arg9[%swap3A_68], %broadcast_in_dim3A_33 {strides = array<i32>} : memref<256xf32, #tpu.memory_space<vmem>>, vector<16xf32>,
      %swap3A_70 = arith.index_cast %add3A_64 : i32 to index
      %swap3A_71 = tpu.vector_load %arg10[%swap3A_70] {strides = array<i32>} : memref<256xf32, #tpu.memory_space<vmem>>, vector<16xf32>,
      tpu.vector_store %arg10[%swap3A_70], %broadcast_in_dim3A_33 {strides = array<i32>} : memref<256xf32, #tpu.memory_space<vmem>>, vector<16xf32>,
      %swap3A_72 = arith.index_cast %add3A_64 : i32 to index
      %swap3A_73 = tpu.vector_load %arg11[%swap3A_72] {strides = array<i32>} : memref<256xf32, #tpu.memory_space<vmem>>, vector<16xf32>,
      tpu.vector_store %arg11[%swap3A_72], %broadcast_in_dim3A_33 {strides = array<i32>} : memref<256xf32, #tpu.memory_space<vmem>>, vector<16xf32>,
      %swap3A_74 = arith.index_cast %add3A_64 : i32 to index
      %swap3A_75 = tpu.vector_load %arg12[%swap3A_74] {strides = array<i32>} : memref<256xf32, #tpu.memory_space<vmem>>, vector<16xf32>,
      tpu.vector_store %arg12[%swap3A_74], %broadcast_in_dim3A_33 {strides = array<i32>} : memref<256xf32, #tpu.memory_space<vmem>>, vector<16xf32>,
      %swap3A_76 = arith.index_cast %add3A_64 : i32 to index
      %swap3A_77 = tpu.vector_load %arg13[%swap3A_76] {strides = array<i32>} : memref<256xf32, #tpu.memory_space<vmem>>, vector<16xf32>,
      tpu.vector_store %arg13[%swap3A_76], %broadcast_in_dim3A_33 {strides = array<i32>} : memref<256xf32, #tpu.memory_space<vmem>>, vector<16xf32>,
      %swap3A_78 = arith.index_cast %add3A_64 : i32 to index
      %swap3A_79 = tpu.vector_load %arg14[%swap3A_78] {strides = array<i32>} : memref<256xf32, #tpu.memory_space<vmem>>, vector<16xf32>,
      tpu.vector_store %arg14[%swap3A_78], %broadcast_in_dim3A_33 {strides = array<i32>} : memref<256xf32, #tpu.memory_space<vmem>>, vector<16xf32>,
    }
    %scan3A_46 = arith.constant 16 : i32
    "tpu.region"() ({
      %run_scoped3A = tpu.sem_alloc : memref<!tpu.dma_semaphore, #tpu.memory_space<semaphore_mem>>
      tpu.enqueue_dma source(%arg3 : memref<256xf32, #tpu.memory_space<hbm>>) target(%arg16 : memref<256xf32, #tpu.memory_space<vmem>>) target_semaphore(%run_scoped3A : memref<!tpu.dma_semaphore, #tpu.memory_space<semaphore_mem>>)
      tpu.wait_dma2 semaphore(%run_scoped3A : memref<!tpu.dma_semaphore, #tpu.memory_space<semaphore_mem>>) src(%arg3 : memref<256xf32, #tpu.memory_space<hbm>>) dst(%arg16 : memref<256xf32, #tpu.memory_space<vmem>>)
      tpu.yield
    }) : () -> ()
    %scan3A_47 = arith.constant 0 : i32
    %scan3A_48 = arith.constant 8 : i32
    %scan3A_49 = arith.addi %scan3A_47, %scan3A_48 : i32
    %scan3A_50 = arith.constant 1 : i32
    scf.for %scan3A_60 = %scan3A_47 to %scan3A_49 step %scan3A_50  : i32 {
      %mul3A_61 = arith.constant 2 : i32
      %mul3A_62 = arith.muli %scan3A_60, %mul3A_61 : i32
      %add3A_63 = arith.constant 0 : i32
      %add3A_64 = arith.addi %add3A_63, %mul3A_62 : i32
      %add3A_65 = arith.constant 1 : i32
      %add3A_66 = arith.addi %add3A_64, %add3A_65 : i32
      %mul3A_67 = arith.constant 128 : i32
      %mul3A_68 = arith.muli %add3A_66, %mul3A_67 : i32
      %add3A_69 = arith.addi %mul3A_32, %mul3A_68 : i32
      %dma_start3A_70 = arith.constant 0 : i32
      %dma_start3A_71 = tpu.memref_slice %arg2[%add3A, %add3A_69, %dma_start3A_70] : memref<16x4096x256xf32, #tpu.memory_space<hbm>> -> memref<1x128x256xf32, #tpu.memory_space<hbm>>
      %dma_start3A_72 = tpu.memref_squeeze %dma_start3A_71 : memref<1x128x256xf32, #tpu.memory_space<hbm>> -> memref<128x256xf32, #tpu.memory_space<hbm>>
      %dma_start3A_73 = arith.constant 0 : i32
      %dma_start3A_74 = tpu.memref_slice %arg2[%add3A, %add3A_69, %dma_start3A_73] : memref<16x4096x256xf32, #tpu.memory_space<hbm>> -> memref<1x128x256xf32, #tpu.memory_space<hbm>>
      %dma_start3A_75 = tpu.memref_squeeze %dma_start3A_74 : memref<1x128x256xf32, #tpu.memory_space<hbm>> -> memref<128x256xf32, #tpu.memory_space<hbm>>
      tpu.enqueue_dma source(%dma_start3A_75 : memref<128x256xf32, #tpu.memory_space<hbm>>) target(%arg6 : memref<128x256xf32, #tpu.memory_space<vmem>>) target_semaphore(%arg22 : memref<!tpu.dma_semaphore, #tpu.memory_space<semaphore_mem>>)
      %mul3A_76 = arith.constant 128 : i32
      %mul3A_77 = arith.muli %add3A_64, %mul3A_76 : i32
      %add3A_78 = arith.addi %mul3A_32, %mul3A_77 : i32
      %dma_wait3A = arith.constant 0 : i32
      %dma_wait3A_79 = tpu.memref_slice %arg2[%add3A, %add3A_78, %dma_wait3A] : memref<16x4096x256xf32, #tpu.memory_space<hbm>> -> memref<1x128x256xf32, #tpu.memory_space<hbm>>
      %dma_wait3A_80 = tpu.memref_squeeze %dma_wait3A_79 : memref<1x128x256xf32, #tpu.memory_space<hbm>> -> memref<128x256xf32, #tpu.memory_space<hbm>>
      %dma_wait3A_81 = arith.constant 0 : i32
      %dma_wait3A_82 = tpu.memref_slice %arg2[%add3A, %add3A_78, %dma_wait3A_81] : memref<16x4096x256xf32, #tpu.memory_space<hbm>> -> memref<1x128x256xf32, #tpu.memory_space<hbm>>
      %dma_wait3A_83 = tpu.memref_squeeze %dma_wait3A_82 : memref<1x128x256xf32, #tpu.memory_space<hbm>> -> memref<128x256xf32, #tpu.memory_space<hbm>>
      tpu.wait_dma2 semaphore(%arg21 : memref<!tpu.dma_semaphore, #tpu.memory_space<semaphore_mem>>) src(%dma_wait3A_83 : memref<128x256xf32, #tpu.memory_space<hbm>>) dst(%arg5 : memref<128x256xf32, #tpu.memory_space<vmem>>)
      %parallel_loop3A = arith.constant 0 : i32
      %parallel_loop3A_84 = arith.constant 128 : i32
      %parallel_loop3A_85 = arith.constant 1 : i32
      scf.for %parallel_loop3A_107 = %parallel_loop3A to %parallel_loop3A_84 step %parallel_loop3A_85  : i32 {
        %parallel_loop3A_108 = arith.index_cast %parallel_loop3A_107 : i32 to index
        %parallel_loop3A_109 = arith.constant 0 : index
        %parallel_loop3A_110 = tpu.vector_load %arg5[%parallel_loop3A_108, %parallel_loop3A_109] {strides = array<i32>} : memref<128x256xf32, #tpu.memory_space<vmem>>, vector<16xf32>,
        %parallel_loop3A_111 = arith.index_cast %parallel_loop3A_107 : i32 to index
        %parallel_loop3A_112 = arith.constant 16 : index
        %parallel_loop3A_113 = tpu.vector_load %arg5[%parallel_loop3A_111, %parallel_loop3A_112] {strides = array<i32>} : memref<128x256xf32, #tpu.memory_space<vmem>>, vector<16xf32>,
        %parallel_loop3A_114 = arith.index_cast %parallel_loop3A_107 : i32 to index
        %parallel_loop3A_115 = arith.constant 32 : index
        %parallel_loop3A_116 = tpu.vector_load %arg5[%parallel_loop3A_114, %parallel_loop3A_115] {strides = array<i32>} : memref<128x256xf32, #tpu.memory_space<vmem>>, vector<16xf32>,
        %parallel_loop3A_117 = arith.index_cast %parallel_loop3A_107 : i32 to index
        %parallel_loop3A_118 = arith.constant 48 : index
        %parallel_loop3A_119 = tpu.vector_load %arg5[%parallel_loop3A_117, %parallel_loop3A_118] {strides = array<i32>} : memref<128x256xf32, #tpu.memory_space<vmem>>, vector<16xf32>,
        %parallel_loop3A_120 = arith.index_cast %parallel_loop3A_107 : i32 to index
        %parallel_loop3A_121 = arith.constant 64 : index
        %parallel_loop3A_122 = tpu.vector_load %arg5[%parallel_loop3A_120, %parallel_loop3A_121] {strides = array<i32>} : memref<128x256xf32, #tpu.memory_space<vmem>>, vector<16xf32>,
        %parallel_loop3A_123 = arith.index_cast %parallel_loop3A_107 : i32 to index
        %parallel_loop3A_124 = arith.constant 80 : index
        %parallel_loop3A_125 = tpu.vector_load %arg5[%parallel_loop3A_123, %parallel_loop3A_124] {strides = array<i32>} : memref<128x256xf32, #tpu.memory_space<vmem>>, vector<16xf32>,
        %parallel_loop3A_126 = arith.index_cast %parallel_loop3A_107 : i32 to index
        %parallel_loop3A_127 = arith.constant 96 : index
        %parallel_loop3A_128 = tpu.vector_load %arg5[%parallel_loop3A_126, %parallel_loop3A_127] {strides = array<i32>} : memref<128x256xf32, #tpu.memory_space<vmem>>, vector<16xf32>,
        %parallel_loop3A_129 = arith.index_cast %parallel_loop3A_107 : i32 to index
        %parallel_loop3A_130 = arith.constant 112 : index
        %parallel_loop3A_131 = tpu.vector_load %arg5[%parallel_loop3A_129, %parallel_loop3A_130] {strides = array<i32>} : memref<128x256xf32, #tpu.memory_space<vmem>>, vector<16xf32>,
        %parallel_loop3A_132 = arith.index_cast %parallel_loop3A_107 : i32 to index
        %parallel_loop3A_133 = arith.constant 128 : index
        %parallel_loop3A_134 = tpu.vector_load %arg5[%parallel_loop3A_132, %parallel_loop3A_133] {strides = array<i32>} : memref<128x256xf32, #tpu.memory_space<vmem>>, vector<16xf32>,
        %parallel_loop3A_135 = arith.index_cast %parallel_loop3A_107 : i32 to index
        %parallel_loop3A_136 = arith.constant 144 : index
        %parallel_loop3A_137 = tpu.vector_load %arg5[%parallel_loop3A_135, %parallel_loop3A_136] {strides = array<i32>} : memref<128x256xf32, #tpu.memory_space<vmem>>, vector<16xf32>,
        %parallel_loop3A_138 = arith.index_cast %parallel_loop3A_107 : i32 to index
        %parallel_loop3A_139 = arith.constant 160 : index
        %parallel_loop3A_140 = tpu.vector_load %arg5[%parallel_loop3A_138, %parallel_loop3A_139] {strides = array<i32>} : memref<128x256xf32, #tpu.memory_space<vmem>>, vector<16xf32>,
        %parallel_loop3A_141 = arith.index_cast %parallel_loop3A_107 : i32 to index
        %parallel_loop3A_142 = arith.constant 176 : index
        %parallel_loop3A_143 = tpu.vector_load %arg5[%parallel_loop3A_141, %parallel_loop3A_142] {strides = array<i32>} : memref<128x256xf32, #tpu.memory_space<vmem>>, vector<16xf32>,
        %parallel_loop3A_144 = arith.index_cast %parallel_loop3A_107 : i32 to index
        %parallel_loop3A_145 = arith.constant 192 : index
        %parallel_loop3A_146 = tpu.vector_load %arg5[%parallel_loop3A_144, %parallel_loop3A_145] {strides = array<i32>} : memref<128x256xf32, #tpu.memory_space<vmem>>, vector<16xf32>,
        %parallel_loop3A_147 = arith.index_cast %parallel_loop3A_107 : i32 to index
        %parallel_loop3A_148 = arith.constant 208 : index
        %parallel_loop3A_149 = tpu.vector_load %arg5[%parallel_loop3A_147, %parallel_loop3A_148] {strides = array<i32>} : memref<128x256xf32, #tpu.memory_space<vmem>>, vector<16xf32>,
        %parallel_loop3A_150 = arith.index_cast %parallel_loop3A_107 : i32 to index
        %parallel_loop3A_151 = arith.constant 224 : index
        %parallel_loop3A_152 = tpu.vector_load %arg5[%parallel_loop3A_150, %parallel_loop3A_151] {strides = array<i32>} : memref<128x256xf32, #tpu.memory_space<vmem>>, vector<16xf32>,
        %parallel_loop3A_153 = arith.index_cast %parallel_loop3A_107 : i32 to index
        %parallel_loop3A_154 = arith.constant 240 : index
        %parallel_loop3A_155 = tpu.vector_load %arg5[%parallel_loop3A_153, %parallel_loop3A_154] {strides = array<i32>} : memref<128x256xf32, #tpu.memory_space<vmem>>, vector<16xf32>,
        %parallel_loop3A_156 = arith.constant 2.560000e+02 : f32
        %parallel_loop3A_157 = vector.broadcast %parallel_loop3A_156 : f32 to vector<16xf32>
        %parallel_loop3A_158 = arith.mulf %parallel_loop3A_110, %parallel_loop3A_157 : vector<16xf32>
        %parallel_loop3A_159 = arith.fptosi %parallel_loop3A_158 : vector<16xf32> to vector<16xi32>
        %parallel_loop3A_160 = arith.constant 2.560000e+02 : f32
        %parallel_loop3A_161 = vector.broadcast %parallel_loop3A_160 : f32 to vector<16xf32>
        %parallel_loop3A_162 = arith.mulf %parallel_loop3A_113, %parallel_loop3A_161 : vector<16xf32>
        %parallel_loop3A_163 = arith.fptosi %parallel_loop3A_162 : vector<16xf32> to vector<16xi32>
        %parallel_loop3A_164 = arith.constant 2.560000e+02 : f32
        %parallel_loop3A_165 = vector.broadcast %parallel_loop3A_164 : f32 to vector<16xf32>
        %parallel_loop3A_166 = arith.mulf %parallel_loop3A_116, %parallel_loop3A_165 : vector<16xf32>
        %parallel_loop3A_167 = arith.fptosi %parallel_loop3A_166 : vector<16xf32> to vector<16xi32>
        %parallel_loop3A_168 = arith.constant 2.560000e+02 : f32
        %parallel_loop3A_169 = vector.broadcast %parallel_loop3A_168 : f32 to vector<16xf32>
        %parallel_loop3A_170 = arith.mulf %parallel_loop3A_119, %parallel_loop3A_169 : vector<16xf32>
        %parallel_loop3A_171 = arith.fptosi %parallel_loop3A_170 : vector<16xf32> to vector<16xi32>
        %parallel_loop3A_172 = arith.constant 2.560000e+02 : f32
        %parallel_loop3A_173 = vector.broadcast %parallel_loop3A_172 : f32 to vector<16xf32>
        %parallel_loop3A_174 = arith.mulf %parallel_loop3A_122, %parallel_loop3A_173 : vector<16xf32>
        %parallel_loop3A_175 = arith.fptosi %parallel_loop3A_174 : vector<16xf32> to vector<16xi32>
        %parallel_loop3A_176 = arith.constant 2.560000e+02 : f32
        %parallel_loop3A_177 = vector.broadcast %parallel_loop3A_176 : f32 to vector<16xf32>
        %parallel_loop3A_178 = arith.mulf %parallel_loop3A_125, %parallel_loop3A_177 : vector<16xf32>
        %parallel_loop3A_179 = arith.fptosi %parallel_loop3A_178 : vector<16xf32> to vector<16xi32>
        %parallel_loop3A_180 = arith.constant 2.560000e+02 : f32
        %parallel_loop3A_181 = vector.broadcast %parallel_loop3A_180 : f32 to vector<16xf32>
        %parallel_loop3A_182 = arith.mulf %parallel_loop3A_128, %parallel_loop3A_181 : vector<16xf32>
        %parallel_loop3A_183 = arith.fptosi %parallel_loop3A_182 : vector<16xf32> to vector<16xi32>
        %parallel_loop3A_184 = arith.constant 2.560000e+02 : f32
        %parallel_loop3A_185 = vector.broadcast %parallel_loop3A_184 : f32 to vector<16xf32>
        %parallel_loop3A_186 = arith.mulf %parallel_loop3A_131, %parallel_loop3A_185 : vector<16xf32>
        %parallel_loop3A_187 = arith.fptosi %parallel_loop3A_186 : vector<16xf32> to vector<16xi32>
        %parallel_loop3A_188 = arith.constant 2.560000e+02 : f32
        %parallel_loop3A_189 = vector.broadcast %parallel_loop3A_188 : f32 to vector<16xf32>
        %parallel_loop3A_190 = arith.mulf %parallel_loop3A_134, %parallel_loop3A_189 : vector<16xf32>
        %parallel_loop3A_191 = arith.fptosi %parallel_loop3A_190 : vector<16xf32> to vector<16xi32>
        %parallel_loop3A_192 = arith.constant 2.560000e+02 : f32
        %parallel_loop3A_193 = vector.broadcast %parallel_loop3A_192 : f32 to vector<16xf32>
        %parallel_loop3A_194 = arith.mulf %parallel_loop3A_137, %parallel_loop3A_193 : vector<16xf32>
        %parallel_loop3A_195 = arith.fptosi %parallel_loop3A_194 : vector<16xf32> to vector<16xi32>
        %parallel_loop3A_196 = arith.constant 2.560000e+02 : f32
        %parallel_loop3A_197 = vector.broadcast %parallel_loop3A_196 : f32 to vector<16xf32>
        %parallel_loop3A_198 = arith.mulf %parallel_loop3A_140, %parallel_loop3A_197 : vector<16xf32>
        %parallel_loop3A_199 = arith.fptosi %parallel_loop3A_198 : vector<16xf32> to vector<16xi32>
        %parallel_loop3A_200 = arith.constant 2.560000e+02 : f32
        %parallel_loop3A_201 = vector.broadcast %parallel_loop3A_200 : f32 to vector<16xf32>
        %parallel_loop3A_202 = arith.mulf %parallel_loop3A_143, %parallel_loop3A_201 : vector<16xf32>
        %parallel_loop3A_203 = arith.fptosi %parallel_loop3A_202 : vector<16xf32> to vector<16xi32>
        %parallel_loop3A_204 = arith.constant 2.560000e+02 : f32
        %parallel_loop3A_205 = vector.broadcast %parallel_loop3A_204 : f32 to vector<16xf32>
        %parallel_loop3A_206 = arith.mulf %parallel_loop3A_146, %parallel_loop3A_205 : vector<16xf32>
        %parallel_loop3A_207 = arith.fptosi %parallel_loop3A_206 : vector<16xf32> to vector<16xi32>
        %parallel_loop3A_208 = arith.constant 2.560000e+02 : f32
        %parallel_loop3A_209 = vector.broadcast %parallel_loop3A_208 : f32 to vector<16xf32>
        %parallel_loop3A_210 = arith.mulf %parallel_loop3A_149, %parallel_loop3A_209 : vector<16xf32>
        %parallel_loop3A_211 = arith.fptosi %parallel_loop3A_210 : vector<16xf32> to vector<16xi32>
        %parallel_loop3A_212 = arith.constant 2.560000e+02 : f32
        %parallel_loop3A_213 = vector.broadcast %parallel_loop3A_212 : f32 to vector<16xf32>
        %parallel_loop3A_214 = arith.mulf %parallel_loop3A_152, %parallel_loop3A_213 : vector<16xf32>
        %parallel_loop3A_215 = arith.fptosi %parallel_loop3A_214 : vector<16xf32> to vector<16xi32>
        %parallel_loop3A_216 = arith.constant 2.560000e+02 : f32
        %parallel_loop3A_217 = vector.broadcast %parallel_loop3A_216 : f32 to vector<16xf32>
        %parallel_loop3A_218 = arith.mulf %parallel_loop3A_155, %parallel_loop3A_217 : vector<16xf32>
        %parallel_loop3A_219 = arith.fptosi %parallel_loop3A_218 : vector<16xf32> to vector<16xi32>
        tpu.vector_store_idx %arg7[%parallel_loop3A_159], %broadcast_in_dim3A_35 {add = true} : memref<256xf32, #tpu.memory_space<vmem>>[vector<16xi32>], vector<16xf32>,
        tpu.vector_store_idx %arg8[%parallel_loop3A_163], %broadcast_in_dim3A_35 {add = true} : memref<256xf32, #tpu.memory_space<vmem>>[vector<16xi32>], vector<16xf32>,
        tpu.vector_store_idx %arg9[%parallel_loop3A_167], %broadcast_in_dim3A_35 {add = true} : memref<256xf32, #tpu.memory_space<vmem>>[vector<16xi32>], vector<16xf32>,
        tpu.vector_store_idx %arg10[%parallel_loop3A_171], %broadcast_in_dim3A_35 {add = true} : memref<256xf32, #tpu.memory_space<vmem>>[vector<16xi32>], vector<16xf32>,
        tpu.vector_store_idx %arg11[%parallel_loop3A_175], %broadcast_in_dim3A_35 {add = true} : memref<256xf32, #tpu.memory_space<vmem>>[vector<16xi32>], vector<16xf32>,
        tpu.vector_store_idx %arg12[%parallel_loop3A_179], %broadcast_in_dim3A_35 {add = true} : memref<256xf32, #tpu.memory_space<vmem>>[vector<16xi32>], vector<16xf32>,
        tpu.vector_store_idx %arg13[%parallel_loop3A_183], %broadcast_in_dim3A_35 {add = true} : memref<256xf32, #tpu.memory_space<vmem>>[vector<16xi32>], vector<16xf32>,
        tpu.vector_store_idx %arg14[%parallel_loop3A_187], %broadcast_in_dim3A_35 {add = true} : memref<256xf32, #tpu.memory_space<vmem>>[vector<16xi32>], vector<16xf32>,
        tpu.vector_store_idx %arg7[%parallel_loop3A_191], %broadcast_in_dim3A_35 {add = true} : memref<256xf32, #tpu.memory_space<vmem>>[vector<16xi32>], vector<16xf32>,
        tpu.vector_store_idx %arg8[%parallel_loop3A_195], %broadcast_in_dim3A_35 {add = true} : memref<256xf32, #tpu.memory_space<vmem>>[vector<16xi32>], vector<16xf32>,
        tpu.vector_store_idx %arg9[%parallel_loop3A_199], %broadcast_in_dim3A_35 {add = true} : memref<256xf32, #tpu.memory_space<vmem>>[vector<16xi32>], vector<16xf32>,
        tpu.vector_store_idx %arg10[%parallel_loop3A_203], %broadcast_in_dim3A_35 {add = true} : memref<256xf32, #tpu.memory_space<vmem>>[vector<16xi32>], vector<16xf32>,
        tpu.vector_store_idx %arg11[%parallel_loop3A_207], %broadcast_in_dim3A_35 {add = true} : memref<256xf32, #tpu.memory_space<vmem>>[vector<16xi32>], vector<16xf32>,
        tpu.vector_store_idx %arg12[%parallel_loop3A_211], %broadcast_in_dim3A_35 {add = true} : memref<256xf32, #tpu.memory_space<vmem>>[vector<16xi32>], vector<16xf32>,
        tpu.vector_store_idx %arg13[%parallel_loop3A_215], %broadcast_in_dim3A_35 {add = true} : memref<256xf32, #tpu.memory_space<vmem>>[vector<16xi32>], vector<16xf32>,
        tpu.vector_store_idx %arg14[%parallel_loop3A_219], %broadcast_in_dim3A_35 {add = true} : memref<256xf32, #tpu.memory_space<vmem>>[vector<16xi32>], vector<16xf32>,
      } {sc.loop_unroll_factor = 4 : i64, sc.parallel_access}
      %add3A_86 = arith.constant 2 : i32
      %add3A_87 = arith.addi %add3A_64, %add3A_86 : i32
      %lt3A_88 = arith.constant 16 : i32
      %lt3A_89 = arith.cmpi slt, %add3A_87, %lt3A_88 : i32
      %convert_element_type3A_90 = arith.extui %lt3A_89 : i1 to i32
      %cond3A_91 = arith.constant 0 : i32
      %cond3A_92 = arith.cmpi ne, %convert_element_type3A_90, %cond3A_91 : i32
      scf.if %cond3A_92 {
        %add3A_107 = arith.constant 2 : i32
        %add3A_108 = arith.addi %add3A_64, %add3A_107 : i32
        %mul3A_109 = arith.constant 128 : i32
        %mul3A_110 = arith.muli %add3A_108, %mul3A_109 : i32
        %add3A_111 = arith.addi %mul3A_32, %mul3A_110 : i32
        %dma_start3A_112 = arith.constant 0 : i32
        %dma_start3A_113 = tpu.memref_slice %arg2[%add3A, %add3A_111, %dma_start3A_112] : memref<16x4096x256xf32, #tpu.memory_space<hbm>> -> memref<1x128x256xf32, #tpu.memory_space<hbm>>
        %dma_start3A_114 = tpu.memref_squeeze %dma_start3A_113 : memref<1x128x256xf32, #tpu.memory_space<hbm>> -> memref<128x256xf32, #tpu.memory_space<hbm>>
        %dma_start3A_115 = arith.constant 0 : i32
        %dma_start3A_116 = tpu.memref_slice %arg2[%add3A, %add3A_111, %dma_start3A_115] : memref<16x4096x256xf32, #tpu.memory_space<hbm>> -> memref<1x128x256xf32, #tpu.memory_space<hbm>>
        %dma_start3A_117 = tpu.memref_squeeze %dma_start3A_116 : memref<1x128x256xf32, #tpu.memory_space<hbm>> -> memref<128x256xf32, #tpu.memory_space<hbm>>
        tpu.enqueue_dma source(%dma_start3A_117 : memref<128x256xf32, #tpu.memory_space<hbm>>) target(%arg5 : memref<128x256xf32, #tpu.memory_space<vmem>>) target_semaphore(%arg21 : memref<!tpu.dma_semaphore, #tpu.memory_space<semaphore_mem>>)
      } else {
      }
      %add3A_93 = arith.constant 1 : i32
      %add3A_94 = arith.addi %add3A_64, %add3A_93 : i32
      %mul3A_95 = arith.constant 128 : i32
      %mul3A_96 = arith.muli %add3A_94, %mul3A_95 : i32
      %add3A_97 = arith.addi %mul3A_32, %mul3A_96 : i32
      %dma_wait3A_98 = arith.constant 0 : i32
      %dma_wait3A_99 = tpu.memref_slice %arg2[%add3A, %add3A_97, %dma_wait3A_98] : memref<16x4096x256xf32, #tpu.memory_space<hbm>> -> memref<1x128x256xf32, #tpu.memory_space<hbm>>
      %dma_wait3A_100 = tpu.memref_squeeze %dma_wait3A_99 : memref<1x128x256xf32, #tpu.memory_space<hbm>> -> memref<128x256xf32, #tpu.memory_space<hbm>>
      %dma_wait3A_101 = arith.constant 0 : i32
      %dma_wait3A_102 = tpu.memref_slice %arg2[%add3A, %add3A_97, %dma_wait3A_101] : memref<16x4096x256xf32, #tpu.memory_space<hbm>> -> memref<1x128x256xf32, #tpu.memory_space<hbm>>
      %dma_wait3A_103 = tpu.memref_squeeze %dma_wait3A_102 : memref<1x128x256xf32, #tpu.memory_space<hbm>> -> memref<128x256xf32, #tpu.memory_space<hbm>>
      tpu.wait_dma2 semaphore(%arg22 : memref<!tpu.dma_semaphore, #tpu.memory_space<semaphore_mem>>) src(%dma_wait3A_103 : memref<128x256xf32, #tpu.memory_space<hbm>>) dst(%arg6 : memref<128x256xf32, #tpu.memory_space<vmem>>)
      %parallel_loop3A_104 = arith.constant 0 : i32
      %parallel_loop3A_105 = arith.constant 128 : i32
      %parallel_loop3A_106 = arith.constant 1 : i32
      scf.for %parallel_loop3A_107 = %parallel_loop3A_104 to %parallel_loop3A_105 step %parallel_loop3A_106  : i32 {
        %parallel_loop3A_108 = arith.index_cast %parallel_loop3A_107 : i32 to index
        %parallel_loop3A_109 = arith.constant 0 : index
        %parallel_loop3A_110 = tpu.vector_load %arg6[%parallel_loop3A_108, %parallel_loop3A_109] {strides = array<i32>} : memref<128x256xf32, #tpu.memory_space<vmem>>, vector<16xf32>,
        %parallel_loop3A_111 = arith.index_cast %parallel_loop3A_107 : i32 to index
        %parallel_loop3A_112 = arith.constant 16 : index
        %parallel_loop3A_113 = tpu.vector_load %arg6[%parallel_loop3A_111, %parallel_loop3A_112] {strides = array<i32>} : memref<128x256xf32, #tpu.memory_space<vmem>>, vector<16xf32>,
        %parallel_loop3A_114 = arith.index_cast %parallel_loop3A_107 : i32 to index
        %parallel_loop3A_115 = arith.constant 32 : index
        %parallel_loop3A_116 = tpu.vector_load %arg6[%parallel_loop3A_114, %parallel_loop3A_115] {strides = array<i32>} : memref<128x256xf32, #tpu.memory_space<vmem>>, vector<16xf32>,
        %parallel_loop3A_117 = arith.index_cast %parallel_loop3A_107 : i32 to index
        %parallel_loop3A_118 = arith.constant 48 : index
        %parallel_loop3A_119 = tpu.vector_load %arg6[%parallel_loop3A_117, %parallel_loop3A_118] {strides = array<i32>} : memref<128x256xf32, #tpu.memory_space<vmem>>, vector<16xf32>,
        %parallel_loop3A_120 = arith.index_cast %parallel_loop3A_107 : i32 to index
        %parallel_loop3A_121 = arith.constant 64 : index
        %parallel_loop3A_122 = tpu.vector_load %arg6[%parallel_loop3A_120, %parallel_loop3A_121] {strides = array<i32>} : memref<128x256xf32, #tpu.memory_space<vmem>>, vector<16xf32>,
        %parallel_loop3A_123 = arith.index_cast %parallel_loop3A_107 : i32 to index
        %parallel_loop3A_124 = arith.constant 80 : index
        %parallel_loop3A_125 = tpu.vector_load %arg6[%parallel_loop3A_123, %parallel_loop3A_124] {strides = array<i32>} : memref<128x256xf32, #tpu.memory_space<vmem>>, vector<16xf32>,
        %parallel_loop3A_126 = arith.index_cast %parallel_loop3A_107 : i32 to index
        %parallel_loop3A_127 = arith.constant 96 : index
        %parallel_loop3A_128 = tpu.vector_load %arg6[%parallel_loop3A_126, %parallel_loop3A_127] {strides = array<i32>} : memref<128x256xf32, #tpu.memory_space<vmem>>, vector<16xf32>,
        %parallel_loop3A_129 = arith.index_cast %parallel_loop3A_107 : i32 to index
        %parallel_loop3A_130 = arith.constant 112 : index
        %parallel_loop3A_131 = tpu.vector_load %arg6[%parallel_loop3A_129, %parallel_loop3A_130] {strides = array<i32>} : memref<128x256xf32, #tpu.memory_space<vmem>>, vector<16xf32>,
        %parallel_loop3A_132 = arith.index_cast %parallel_loop3A_107 : i32 to index
        %parallel_loop3A_133 = arith.constant 128 : index
        %parallel_loop3A_134 = tpu.vector_load %arg6[%parallel_loop3A_132, %parallel_loop3A_133] {strides = array<i32>} : memref<128x256xf32, #tpu.memory_space<vmem>>, vector<16xf32>,
        %parallel_loop3A_135 = arith.index_cast %parallel_loop3A_107 : i32 to index
        %parallel_loop3A_136 = arith.constant 144 : index
        %parallel_loop3A_137 = tpu.vector_load %arg6[%parallel_loop3A_135, %parallel_loop3A_136] {strides = array<i32>} : memref<128x256xf32, #tpu.memory_space<vmem>>, vector<16xf32>,
        %parallel_loop3A_138 = arith.index_cast %parallel_loop3A_107 : i32 to index
        %parallel_loop3A_139 = arith.constant 160 : index
        %parallel_loop3A_140 = tpu.vector_load %arg6[%parallel_loop3A_138, %parallel_loop3A_139] {strides = array<i32>} : memref<128x256xf32, #tpu.memory_space<vmem>>, vector<16xf32>,
        %parallel_loop3A_141 = arith.index_cast %parallel_loop3A_107 : i32 to index
        %parallel_loop3A_142 = arith.constant 176 : index
        %parallel_loop3A_143 = tpu.vector_load %arg6[%parallel_loop3A_141, %parallel_loop3A_142] {strides = array<i32>} : memref<128x256xf32, #tpu.memory_space<vmem>>, vector<16xf32>,
        %parallel_loop3A_144 = arith.index_cast %parallel_loop3A_107 : i32 to index
        %parallel_loop3A_145 = arith.constant 192 : index
        %parallel_loop3A_146 = tpu.vector_load %arg6[%parallel_loop3A_144, %parallel_loop3A_145] {strides = array<i32>} : memref<128x256xf32, #tpu.memory_space<vmem>>, vector<16xf32>,
        %parallel_loop3A_147 = arith.index_cast %parallel_loop3A_107 : i32 to index
        %parallel_loop3A_148 = arith.constant 208 : index
        %parallel_loop3A_149 = tpu.vector_load %arg6[%parallel_loop3A_147, %parallel_loop3A_148] {strides = array<i32>} : memref<128x256xf32, #tpu.memory_space<vmem>>, vector<16xf32>,
        %parallel_loop3A_150 = arith.index_cast %parallel_loop3A_107 : i32 to index
        %parallel_loop3A_151 = arith.constant 224 : index
        %parallel_loop3A_152 = tpu.vector_load %arg6[%parallel_loop3A_150, %parallel_loop3A_151] {strides = array<i32>} : memref<128x256xf32, #tpu.memory_space<vmem>>, vector<16xf32>,
        %parallel_loop3A_153 = arith.index_cast %parallel_loop3A_107 : i32 to index
        %parallel_loop3A_154 = arith.constant 240 : index
        %parallel_loop3A_155 = tpu.vector_load %arg6[%parallel_loop3A_153, %parallel_loop3A_154] {strides = array<i32>} : memref<128x256xf32, #tpu.memory_space<vmem>>, vector<16xf32>,
        %parallel_loop3A_156 = arith.constant 2.560000e+02 : f32
        %parallel_loop3A_157 = vector.broadcast %parallel_loop3A_156 : f32 to vector<16xf32>
        %parallel_loop3A_158 = arith.mulf %parallel_loop3A_110, %parallel_loop3A_157 : vector<16xf32>
        %parallel_loop3A_159 = arith.fptosi %parallel_loop3A_158 : vector<16xf32> to vector<16xi32>
        %parallel_loop3A_160 = arith.constant 2.560000e+02 : f32
        %parallel_loop3A_161 = vector.broadcast %parallel_loop3A_160 : f32 to vector<16xf32>
        %parallel_loop3A_162 = arith.mulf %parallel_loop3A_113, %parallel_loop3A_161 : vector<16xf32>
        %parallel_loop3A_163 = arith.fptosi %parallel_loop3A_162 : vector<16xf32> to vector<16xi32>
        %parallel_loop3A_164 = arith.constant 2.560000e+02 : f32
        %parallel_loop3A_165 = vector.broadcast %parallel_loop3A_164 : f32 to vector<16xf32>
        %parallel_loop3A_166 = arith.mulf %parallel_loop3A_116, %parallel_loop3A_165 : vector<16xf32>
        %parallel_loop3A_167 = arith.fptosi %parallel_loop3A_166 : vector<16xf32> to vector<16xi32>
        %parallel_loop3A_168 = arith.constant 2.560000e+02 : f32
        %parallel_loop3A_169 = vector.broadcast %parallel_loop3A_168 : f32 to vector<16xf32>
        %parallel_loop3A_170 = arith.mulf %parallel_loop3A_119, %parallel_loop3A_169 : vector<16xf32>
        %parallel_loop3A_171 = arith.fptosi %parallel_loop3A_170 : vector<16xf32> to vector<16xi32>
        %parallel_loop3A_172 = arith.constant 2.560000e+02 : f32
        %parallel_loop3A_173 = vector.broadcast %parallel_loop3A_172 : f32 to vector<16xf32>
        %parallel_loop3A_174 = arith.mulf %parallel_loop3A_122, %parallel_loop3A_173 : vector<16xf32>
        %parallel_loop3A_175 = arith.fptosi %parallel_loop3A_174 : vector<16xf32> to vector<16xi32>
        %parallel_loop3A_176 = arith.constant 2.560000e+02 : f32
        %parallel_loop3A_177 = vector.broadcast %parallel_loop3A_176 : f32 to vector<16xf32>
        %parallel_loop3A_178 = arith.mulf %parallel_loop3A_125, %parallel_loop3A_177 : vector<16xf32>
        %parallel_loop3A_179 = arith.fptosi %parallel_loop3A_178 : vector<16xf32> to vector<16xi32>
        %parallel_loop3A_180 = arith.constant 2.560000e+02 : f32
        %parallel_loop3A_181 = vector.broadcast %parallel_loop3A_180 : f32 to vector<16xf32>
        %parallel_loop3A_182 = arith.mulf %parallel_loop3A_128, %parallel_loop3A_181 : vector<16xf32>
        %parallel_loop3A_183 = arith.fptosi %parallel_loop3A_182 : vector<16xf32> to vector<16xi32>
        %parallel_loop3A_184 = arith.constant 2.560000e+02 : f32
        %parallel_loop3A_185 = vector.broadcast %parallel_loop3A_184 : f32 to vector<16xf32>
        %parallel_loop3A_186 = arith.mulf %parallel_loop3A_131, %parallel_loop3A_185 : vector<16xf32>
        %parallel_loop3A_187 = arith.fptosi %parallel_loop3A_186 : vector<16xf32> to vector<16xi32>
        %parallel_loop3A_188 = arith.constant 2.560000e+02 : f32
        %parallel_loop3A_189 = vector.broadcast %parallel_loop3A_188 : f32 to vector<16xf32>
        %parallel_loop3A_190 = arith.mulf %parallel_loop3A_134, %parallel_loop3A_189 : vector<16xf32>
        %parallel_loop3A_191 = arith.fptosi %parallel_loop3A_190 : vector<16xf32> to vector<16xi32>
        %parallel_loop3A_192 = arith.constant 2.560000e+02 : f32
        %parallel_loop3A_193 = vector.broadcast %parallel_loop3A_192 : f32 to vector<16xf32>
        %parallel_loop3A_194 = arith.mulf %parallel_loop3A_137, %parallel_loop3A_193 : vector<16xf32>
        %parallel_loop3A_195 = arith.fptosi %parallel_loop3A_194 : vector<16xf32> to vector<16xi32>
        %parallel_loop3A_196 = arith.constant 2.560000e+02 : f32
        %parallel_loop3A_197 = vector.broadcast %parallel_loop3A_196 : f32 to vector<16xf32>
        %parallel_loop3A_198 = arith.mulf %parallel_loop3A_140, %parallel_loop3A_197 : vector<16xf32>
        %parallel_loop3A_199 = arith.fptosi %parallel_loop3A_198 : vector<16xf32> to vector<16xi32>
        %parallel_loop3A_200 = arith.constant 2.560000e+02 : f32
        %parallel_loop3A_201 = vector.broadcast %parallel_loop3A_200 : f32 to vector<16xf32>
        %parallel_loop3A_202 = arith.mulf %parallel_loop3A_143, %parallel_loop3A_201 : vector<16xf32>
        %parallel_loop3A_203 = arith.fptosi %parallel_loop3A_202 : vector<16xf32> to vector<16xi32>
        %parallel_loop3A_204 = arith.constant 2.560000e+02 : f32
        %parallel_loop3A_205 = vector.broadcast %parallel_loop3A_204 : f32 to vector<16xf32>
        %parallel_loop3A_206 = arith.mulf %parallel_loop3A_146, %parallel_loop3A_205 : vector<16xf32>
        %parallel_loop3A_207 = arith.fptosi %parallel_loop3A_206 : vector<16xf32> to vector<16xi32>
        %parallel_loop3A_208 = arith.constant 2.560000e+02 : f32
        %parallel_loop3A_209 = vector.broadcast %parallel_loop3A_208 : f32 to vector<16xf32>
        %parallel_loop3A_210 = arith.mulf %parallel_loop3A_149, %parallel_loop3A_209 : vector<16xf32>
        %parallel_loop3A_211 = arith.fptosi %parallel_loop3A_210 : vector<16xf32> to vector<16xi32>
        %parallel_loop3A_212 = arith.constant 2.560000e+02 : f32
        %parallel_loop3A_213 = vector.broadcast %parallel_loop3A_212 : f32 to vector<16xf32>
        %parallel_loop3A_214 = arith.mulf %parallel_loop3A_152, %parallel_loop3A_213 : vector<16xf32>
        %parallel_loop3A_215 = arith.fptosi %parallel_loop3A_214 : vector<16xf32> to vector<16xi32>
        %parallel_loop3A_216 = arith.constant 2.560000e+02 : f32
        %parallel_loop3A_217 = vector.broadcast %parallel_loop3A_216 : f32 to vector<16xf32>
        %parallel_loop3A_218 = arith.mulf %parallel_loop3A_155, %parallel_loop3A_217 : vector<16xf32>
        %parallel_loop3A_219 = arith.fptosi %parallel_loop3A_218 : vector<16xf32> to vector<16xi32>
        tpu.vector_store_idx %arg7[%parallel_loop3A_159], %broadcast_in_dim3A_35 {add = true} : memref<256xf32, #tpu.memory_space<vmem>>[vector<16xi32>], vector<16xf32>,
        tpu.vector_store_idx %arg8[%parallel_loop3A_163], %broadcast_in_dim3A_35 {add = true} : memref<256xf32, #tpu.memory_space<vmem>>[vector<16xi32>], vector<16xf32>,
        tpu.vector_store_idx %arg9[%parallel_loop3A_167], %broadcast_in_dim3A_35 {add = true} : memref<256xf32, #tpu.memory_space<vmem>>[vector<16xi32>], vector<16xf32>,
        tpu.vector_store_idx %arg10[%parallel_loop3A_171], %broadcast_in_dim3A_35 {add = true} : memref<256xf32, #tpu.memory_space<vmem>>[vector<16xi32>], vector<16xf32>,
        tpu.vector_store_idx %arg11[%parallel_loop3A_175], %broadcast_in_dim3A_35 {add = true} : memref<256xf32, #tpu.memory_space<vmem>>[vector<16xi32>], vector<16xf32>,
        tpu.vector_store_idx %arg12[%parallel_loop3A_179], %broadcast_in_dim3A_35 {add = true} : memref<256xf32, #tpu.memory_space<vmem>>[vector<16xi32>], vector<16xf32>,
        tpu.vector_store_idx %arg13[%parallel_loop3A_183], %broadcast_in_dim3A_35 {add = true} : memref<256xf32, #tpu.memory_space<vmem>>[vector<16xi32>], vector<16xf32>,
        tpu.vector_store_idx %arg14[%parallel_loop3A_187], %broadcast_in_dim3A_35 {add = true} : memref<256xf32, #tpu.memory_space<vmem>>[vector<16xi32>], vector<16xf32>,
        tpu.vector_store_idx %arg7[%parallel_loop3A_191], %broadcast_in_dim3A_35 {add = true} : memref<256xf32, #tpu.memory_space<vmem>>[vector<16xi32>], vector<16xf32>,
        tpu.vector_store_idx %arg8[%parallel_loop3A_195], %broadcast_in_dim3A_35 {add = true} : memref<256xf32, #tpu.memory_space<vmem>>[vector<16xi32>], vector<16xf32>,
        tpu.vector_store_idx %arg9[%parallel_loop3A_199], %broadcast_in_dim3A_35 {add = true} : memref<256xf32, #tpu.memory_space<vmem>>[vector<16xi32>], vector<16xf32>,
        tpu.vector_store_idx %arg10[%parallel_loop3A_203], %broadcast_in_dim3A_35 {add = true} : memref<256xf32, #tpu.memory_space<vmem>>[vector<16xi32>], vector<16xf32>,
        tpu.vector_store_idx %arg11[%parallel_loop3A_207], %broadcast_in_dim3A_35 {add = true} : memref<256xf32, #tpu.memory_space<vmem>>[vector<16xi32>], vector<16xf32>,
        tpu.vector_store_idx %arg12[%parallel_loop3A_211], %broadcast_in_dim3A_35 {add = true} : memref<256xf32, #tpu.memory_space<vmem>>[vector<16xi32>], vector<16xf32>,
        tpu.vector_store_idx %arg13[%parallel_loop3A_215], %broadcast_in_dim3A_35 {add = true} : memref<256xf32, #tpu.memory_space<vmem>>[vector<16xi32>], vector<16xf32>,
        tpu.vector_store_idx %arg14[%parallel_loop3A_219], %broadcast_in_dim3A_35 {add = true} : memref<256xf32, #tpu.memory_space<vmem>>[vector<16xi32>], vector<16xf32>,
      } {sc.loop_unroll_factor = 4 : i64, sc.parallel_access}
    }
    %scan3A_51 = arith.constant 8 : i32
    %scan3A_52 = arith.constant 0 : i32
    %scan3A_53 = arith.constant 16 : i32
    %scan3A_54 = arith.addi %scan3A_52, %scan3A_53 : i32
    %scan3A_55 = arith.constant 1 : i32
    scf.for %scan3A_60 = %scan3A_52 to %scan3A_54 step %scan3A_55  : i32 {
      %mul3A_61 = arith.constant 16 : i32
      %mul3A_62 = arith.muli %scan3A_60, %mul3A_61 : i32
      %add3A_63 = arith.constant 0 : i32
      %add3A_64 = arith.addi %add3A_63, %mul3A_62 : i32
      %get3A = arith.index_cast %add3A_64 : i32 to index
      %get3A_65 = tpu.vector_load %arg7[%get3A] {strides = array<i32>} : memref<256xf32, #tpu.memory_space<vmem>>, vector<16xf32>,
      %get3A_66 = arith.index_cast %add3A_64 : i32 to index
      %get3A_67 = tpu.vector_load %arg8[%get3A_66] {strides = array<i32>} : memref<256xf32, #tpu.memory_space<vmem>>, vector<16xf32>,
      %add3A_68 = arith.addf %get3A_65, %get3A_67 : vector<16xf32>
      %get3A_69 = arith.index_cast %add3A_64 : i32 to index
      %get3A_70 = tpu.vector_load %arg9[%get3A_69] {strides = array<i32>} : memref<256xf32, #tpu.memory_space<vmem>>, vector<16xf32>,
      %add3A_71 = arith.addf %add3A_68, %get3A_70 : vector<16xf32>
      %get3A_72 = arith.index_cast %add3A_64 : i32 to index
      %get3A_73 = tpu.vector_load %arg10[%get3A_72] {strides = array<i32>} : memref<256xf32, #tpu.memory_space<vmem>>, vector<16xf32>,
      %add3A_74 = arith.addf %add3A_71, %get3A_73 : vector<16xf32>
      %get3A_75 = arith.index_cast %add3A_64 : i32 to index
      %get3A_76 = tpu.vector_load %arg11[%get3A_75] {strides = array<i32>} : memref<256xf32, #tpu.memory_space<vmem>>, vector<16xf32>,
      %add3A_77 = arith.addf %add3A_74, %get3A_76 : vector<16xf32>
      %get3A_78 = arith.index_cast %add3A_64 : i32 to index
      %get3A_79 = tpu.vector_load %arg12[%get3A_78] {strides = array<i32>} : memref<256xf32, #tpu.memory_space<vmem>>, vector<16xf32>,
      %add3A_80 = arith.addf %add3A_77, %get3A_79 : vector<16xf32>
      %get3A_81 = arith.index_cast %add3A_64 : i32 to index
      %get3A_82 = tpu.vector_load %arg13[%get3A_81] {strides = array<i32>} : memref<256xf32, #tpu.memory_space<vmem>>, vector<16xf32>,
      %add3A_83 = arith.addf %add3A_80, %get3A_82 : vector<16xf32>
      %get3A_84 = arith.index_cast %add3A_64 : i32 to index
      %get3A_85 = tpu.vector_load %arg14[%get3A_84] {strides = array<i32>} : memref<256xf32, #tpu.memory_space<vmem>>, vector<16xf32>,
      %add3A_86 = arith.addf %add3A_83, %get3A_85 : vector<16xf32>
      %swap3A = arith.index_cast %add3A_64 : i32 to index
      %swap3A_87 = tpu.vector_load %arg15[%swap3A] {strides = array<i32>} : memref<256xf32, #tpu.memory_space<vmem>>, vector<16xf32>,
      tpu.vector_store %arg15[%swap3A], %add3A_86 {strides = array<i32>} : memref<256xf32, #tpu.memory_space<vmem>>, vector<16xf32>,
    }
    %scan3A_56 = arith.constant 16 : i32
    "tpu.region"() ({
      %run_scoped3A = tpu.sem_alloc : memref<!tpu.dma_semaphore, #tpu.memory_space<semaphore_mem>>
      %dma_start3A_60 = arith.constant 0 : i32
      %dma_start3A_61 = tpu.memref_slice %arg20[%arg1, %dma_start3A_60] : memref<16x256xf32, #tpu.memory_space<vmem_shared>> -> memref<1x256xf32, #tpu.memory_space<vmem_shared>>
      %dma_start3A_62 = tpu.memref_squeeze %dma_start3A_61 : memref<1x256xf32, #tpu.memory_space<vmem_shared>> -> memref<256xf32, #tpu.memory_space<vmem_shared>>
      %dma_start3A_63 = arith.constant 0 : i32
      %dma_start3A_64 = tpu.memref_slice %arg20[%arg1, %dma_start3A_63] : memref<16x256xf32, #tpu.memory_space<vmem_shared>> -> memref<1x256xf32, #tpu.memory_space<vmem_shared>>
      %dma_start3A_65 = tpu.memref_squeeze %dma_start3A_64 : memref<1x256xf32, #tpu.memory_space<vmem_shared>> -> memref<256xf32, #tpu.memory_space<vmem_shared>>
      tpu.enqueue_dma source(%arg15 : memref<256xf32, #tpu.memory_space<vmem>>) target(%dma_start3A_65 : memref<256xf32, #tpu.memory_space<vmem_shared>>) target_semaphore(%run_scoped3A : memref<!tpu.dma_semaphore, #tpu.memory_space<semaphore_mem>>)
      %dma_wait3A = arith.constant 0 : i32
      %dma_wait3A_66 = tpu.memref_slice %arg20[%arg1, %dma_wait3A] : memref<16x256xf32, #tpu.memory_space<vmem_shared>> -> memref<1x256xf32, #tpu.memory_space<vmem_shared>>
      %dma_wait3A_67 = tpu.memref_squeeze %dma_wait3A_66 : memref<1x256xf32, #tpu.memory_space<vmem_shared>> -> memref<256xf32, #tpu.memory_space<vmem_shared>>
      %dma_wait3A_68 = arith.constant 0 : i32
      %dma_wait3A_69 = tpu.memref_slice %arg20[%arg1, %dma_wait3A_68] : memref<16x256xf32, #tpu.memory_space<vmem_shared>> -> memref<1x256xf32, #tpu.memory_space<vmem_shared>>
      %dma_wait3A_70 = tpu.memref_squeeze %dma_wait3A_69 : memref<1x256xf32, #tpu.memory_space<vmem_shared>> -> memref<256xf32, #tpu.memory_space<vmem_shared>>
      tpu.wait_dma2 semaphore(%run_scoped3A : memref<!tpu.dma_semaphore, #tpu.memory_space<semaphore_mem>>) src(%arg15 : memref<256xf32, #tpu.memory_space<vmem>>) dst(%dma_wait3A_70 : memref<256xf32, #tpu.memory_space<vmem_shared>>)
      tpu.yield
    }) : () -> ()
    %barrier3A = arith.constant 0 : index
    tpu.barrier barrier_id(%barrier3A)
    %lt3A_57 = arith.constant 8 : i32
    %lt3A_58 = arith.cmpi slt, %arg1, %lt3A_57 : i32
    %convert_element_type3A = arith.extui %lt3A_58 : i1 to i32
    %cond3A = arith.constant 0 : i32
    %cond3A_59 = arith.cmpi ne, %convert_element_type3A, %cond3A : i32
    scf.if %cond3A_59 {
      %mul3A_60 = arith.constant 2 : i32
      %mul3A_61 = arith.muli %mul3A_60, %arg1 : i32
      "tpu.region"() ({
        %run_scoped3A = tpu.sem_alloc : memref<!tpu.dma_semaphore, #tpu.memory_space<semaphore_mem>>
        %dma_start3A_74 = arith.constant 0 : i32
        %dma_start3A_75 = tpu.memref_slice %arg20[%mul3A_61, %dma_start3A_74] : memref<16x256xf32, #tpu.memory_space<vmem_shared>> -> memref<1x256xf32, #tpu.memory_space<vmem_shared>>
        %dma_start3A_76 = tpu.memref_squeeze %dma_start3A_75 : memref<1x256xf32, #tpu.memory_space<vmem_shared>> -> memref<256xf32, #tpu.memory_space<vmem_shared>>
        %dma_start3A_77 = arith.constant 0 : i32
        %dma_start3A_78 = tpu.memref_slice %arg20[%mul3A_61, %dma_start3A_77] : memref<16x256xf32, #tpu.memory_space<vmem_shared>> -> memref<1x256xf32, #tpu.memory_space<vmem_shared>>
        %dma_start3A_79 = tpu.memref_squeeze %dma_start3A_78 : memref<1x256xf32, #tpu.memory_space<vmem_shared>> -> memref<256xf32, #tpu.memory_space<vmem_shared>>
        tpu.enqueue_dma source(%dma_start3A_79 : memref<256xf32, #tpu.memory_space<vmem_shared>>) target(%arg17 : memref<256xf32, #tpu.memory_space<vmem>>) target_semaphore(%run_scoped3A : memref<!tpu.dma_semaphore, #tpu.memory_space<semaphore_mem>>)
        %dma_wait3A = arith.constant 0 : i32
        %dma_wait3A_80 = tpu.memref_slice %arg20[%mul3A_61, %dma_wait3A] : memref<16x256xf32, #tpu.memory_space<vmem_shared>> -> memref<1x256xf32, #tpu.memory_space<vmem_shared>>
        %dma_wait3A_81 = tpu.memref_squeeze %dma_wait3A_80 : memref<1x256xf32, #tpu.memory_space<vmem_shared>> -> memref<256xf32, #tpu.memory_space<vmem_shared>>
        %dma_wait3A_82 = arith.constant 0 : i32
        %dma_wait3A_83 = tpu.memref_slice %arg20[%mul3A_61, %dma_wait3A_82] : memref<16x256xf32, #tpu.memory_space<vmem_shared>> -> memref<1x256xf32, #tpu.memory_space<vmem_shared>>
        %dma_wait3A_84 = tpu.memref_squeeze %dma_wait3A_83 : memref<1x256xf32, #tpu.memory_space<vmem_shared>> -> memref<256xf32, #tpu.memory_space<vmem_shared>>
        tpu.wait_dma2 semaphore(%run_scoped3A : memref<!tpu.dma_semaphore, #tpu.memory_space<semaphore_mem>>) src(%dma_wait3A_84 : memref<256xf32, #tpu.memory_space<vmem_shared>>) dst(%arg17 : memref<256xf32, #tpu.memory_space<vmem>>)
        tpu.yield
      }) : () -> ()
      %mul3A_62 = arith.constant 2 : i32
      %mul3A_63 = arith.muli %mul3A_62, %arg1 : i32
      %add3A_64 = arith.constant 1 : i32
      %add3A_65 = arith.addi %mul3A_63, %add3A_64 : i32
      "tpu.region"() ({
        %run_scoped3A = tpu.sem_alloc : memref<!tpu.dma_semaphore, #tpu.memory_space<semaphore_mem>>
        %dma_start3A_74 = arith.constant 0 : i32
        %dma_start3A_75 = tpu.memref_slice %arg20[%add3A_65, %dma_start3A_74] : memref<16x256xf32, #tpu.memory_space<vmem_shared>> -> memref<1x256xf32, #tpu.memory_space<vmem_shared>>
        %dma_start3A_76 = tpu.memref_squeeze %dma_start3A_75 : memref<1x256xf32, #tpu.memory_space<vmem_shared>> -> memref<256xf32, #tpu.memory_space<vmem_shared>>
        %dma_start3A_77 = arith.constant 0 : i32
        %dma_start3A_78 = tpu.memref_slice %arg20[%add3A_65, %dma_start3A_77] : memref<16x256xf32, #tpu.memory_space<vmem_shared>> -> memref<1x256xf32, #tpu.memory_space<vmem_shared>>
        %dma_start3A_79 = tpu.memref_squeeze %dma_start3A_78 : memref<1x256xf32, #tpu.memory_space<vmem_shared>> -> memref<256xf32, #tpu.memory_space<vmem_shared>>
        tpu.enqueue_dma source(%dma_start3A_79 : memref<256xf32, #tpu.memory_space<vmem_shared>>) target(%arg18 : memref<256xf32, #tpu.memory_space<vmem>>) target_semaphore(%run_scoped3A : memref<!tpu.dma_semaphore, #tpu.memory_space<semaphore_mem>>)
        %dma_wait3A = arith.constant 0 : i32
        %dma_wait3A_80 = tpu.memref_slice %arg20[%add3A_65, %dma_wait3A] : memref<16x256xf32, #tpu.memory_space<vmem_shared>> -> memref<1x256xf32, #tpu.memory_space<vmem_shared>>
        %dma_wait3A_81 = tpu.memref_squeeze %dma_wait3A_80 : memref<1x256xf32, #tpu.memory_space<vmem_shared>> -> memref<256xf32, #tpu.memory_space<vmem_shared>>
        %dma_wait3A_82 = arith.constant 0 : i32
        %dma_wait3A_83 = tpu.memref_slice %arg20[%add3A_65, %dma_wait3A_82] : memref<16x256xf32, #tpu.memory_space<vmem_shared>> -> memref<1x256xf32, #tpu.memory_space<vmem_shared>>
        %dma_wait3A_84 = tpu.memref_squeeze %dma_wait3A_83 : memref<1x256xf32, #tpu.memory_space<vmem_shared>> -> memref<256xf32, #tpu.memory_space<vmem_shared>>
        tpu.wait_dma2 semaphore(%run_scoped3A : memref<!tpu.dma_semaphore, #tpu.memory_space<semaphore_mem>>) src(%dma_wait3A_84 : memref<256xf32, #tpu.memory_space<vmem_shared>>) dst(%arg18 : memref<256xf32, #tpu.memory_space<vmem>>)
        tpu.yield
      }) : () -> ()
      %scan3A_66 = arith.constant 0 : i32
      %scan3A_67 = arith.constant 16 : i32
      %scan3A_68 = arith.addi %scan3A_66, %scan3A_67 : i32
      %scan3A_69 = arith.constant 1 : i32
      scf.for %scan3A_74 = %scan3A_66 to %scan3A_68 step %scan3A_69  : i32 {
        %mul3A_75 = arith.constant 16 : i32
        %mul3A_76 = arith.muli %scan3A_74, %mul3A_75 : i32
        %add3A_77 = arith.constant 0 : i32
        %add3A_78 = arith.addi %add3A_77, %mul3A_76 : i32
        %get3A = arith.index_cast %add3A_78 : i32 to index
        %get3A_79 = tpu.vector_load %arg17[%get3A] {strides = array<i32>} : memref<256xf32, #tpu.memory_space<vmem>>, vector<16xf32>,
        %get3A_80 = arith.index_cast %add3A_78 : i32 to index
        %get3A_81 = tpu.vector_load %arg18[%get3A_80] {strides = array<i32>} : memref<256xf32, #tpu.memory_space<vmem>>, vector<16xf32>,
        %add3A_82 = arith.addf %get3A_79, %get3A_81 : vector<16xf32>
        %get3A_83 = arith.index_cast %add3A_78 : i32 to index
        %get3A_84 = tpu.vector_load %arg16[%get3A_83] {strides = array<i32>} : memref<256xf32, #tpu.memory_space<vmem>>, vector<16xf32>,
        %mul3A_85 = arith.mulf %add3A_82, %get3A_84 : vector<16xf32>
        %swap3A = arith.index_cast %add3A_78 : i32 to index
        %swap3A_86 = tpu.vector_load %arg19[%swap3A] {strides = array<i32>} : memref<256xf32, #tpu.memory_space<vmem>>, vector<16xf32>,
        tpu.vector_store %arg19[%swap3A], %mul3A_85 {strides = array<i32>} : memref<256xf32, #tpu.memory_space<vmem>>, vector<16xf32>,
      }
      %scan3A_70 = arith.constant 16 : i32
      %mul3A_71 = arith.constant 8 : i32
      %mul3A_72 = arith.muli %mul3A_71, %arg0 : i32
      %add3A_73 = arith.addi %mul3A_72, %arg1 : i32
      "tpu.region"() ({
        %run_scoped3A = tpu.sem_alloc : memref<!tpu.dma_semaphore, #tpu.memory_space<semaphore_mem>>
        %dma_start3A_74 = arith.constant 0 : i32
        %dma_start3A_75 = tpu.memref_slice %arg4[%add3A_73, %dma_start3A_74] : memref<16x256xf32, #tpu.memory_space<hbm>> -> memref<1x256xf32, #tpu.memory_space<hbm>>
        %dma_start3A_76 = tpu.memref_squeeze %dma_start3A_75 : memref<1x256xf32, #tpu.memory_space<hbm>> -> memref<256xf32, #tpu.memory_space<hbm>>
        %dma_start3A_77 = arith.constant 0 : i32
        %dma_start3A_78 = tpu.memref_slice %arg4[%add3A_73, %dma_start3A_77] : memref<16x256xf32, #tpu.memory_space<hbm>> -> memref<1x256xf32, #tpu.memory_space<hbm>>
        %dma_start3A_79 = tpu.memref_squeeze %dma_start3A_78 : memref<1x256xf32, #tpu.memory_space<hbm>> -> memref<256xf32, #tpu.memory_space<hbm>>
        tpu.enqueue_dma source(%arg19 : memref<256xf32, #tpu.memory_space<vmem>>) target(%dma_start3A_79 : memref<256xf32, #tpu.memory_space<hbm>>) target_semaphore(%run_scoped3A : memref<!tpu.dma_semaphore, #tpu.memory_space<semaphore_mem>>)
        %dma_wait3A = arith.constant 0 : i32
        %dma_wait3A_80 = tpu.memref_slice %arg4[%add3A_73, %dma_wait3A] : memref<16x256xf32, #tpu.memory_space<hbm>> -> memref<1x256xf32, #tpu.memory_space<hbm>>
        %dma_wait3A_81 = tpu.memref_squeeze %dma_wait3A_80 : memref<1x256xf32, #tpu.memory_space<hbm>> -> memref<256xf32, #tpu.memory_space<hbm>>
        %dma_wait3A_82 = arith.constant 0 : i32
        %dma_wait3A_83 = tpu.memref_slice %arg4[%add3A_73, %dma_wait3A_82] : memref<16x256xf32, #tpu.memory_space<hbm>> -> memref<1x256xf32, #tpu.memory_space<hbm>>
        %dma_wait3A_84 = tpu.memref_squeeze %dma_wait3A_83 : memref<1x256xf32, #tpu.memory_space<hbm>> -> memref<256xf32, #tpu.memory_space<hbm>>
        tpu.wait_dma2 semaphore(%run_scoped3A : memref<!tpu.dma_semaphore, #tpu.memory_space<semaphore_mem>>) src(%arg19 : memref<256xf32, #tpu.memory_space<vmem>>) dst(%dma_wait3A_84 : memref<256xf32, #tpu.memory_space<hbm>>)
        tpu.yield
      }) : () -> ()
    } else {
    }
    return
  }
}

</mosaic_0001>

<sc_bundles>
// kernel: kernel.3.cloned.1.call-start
scs
__scs_entry_jumppad:
0x0: {  	(pc) =	sbr.rel $0x88, $3  }
0x1: {  	(tag) =	ssettag $0x0;
	lr =	simm.s32 $0x1  }
0x2: {  	[smem:$0x3F9F] =	sst lr;
	_ =	strace $0xD0000000  }
0x3: {  	_ = 	snop  }
0x4: {  	_ = 	snop  }
0x5: {  	_ = 	snop  }
0x6: {  	_ = 	snop  }
0x7: {  	_ = 	snop  }
__scs_overlays_trampoline_lowered:
0x8: {  	[smem:$0x3FAE] =	sst s0  }
0x9: {  	[smem:$0x3FAF] =	sst s1  }
0xa: {  	[smem:$0x3FB0] =	sst s2  }
0xb: {  	[smem:$0x3FB1] =	sst s3  }
0xc: {  	[smem:$0x3FB2] =	sst s4  }
0xd: {  	[smem:$0x3FB3] =	sst s5  }
0xe: {  	[smem:$0x3FB4] =	sst s6  }
0xf: {  	[smem:$0x3FB5] =	sst s7  }
0x10: {  	[smem:$0x3FB6] =	sst s8  }
0x11: {  	[smem:$0x3FB7] =	sst s9;
	s0 =	simm.s32 @!p0 $0x0  }
0x12: {  	s1 =	sld [smem:$0x3F9D];
	s0 =	simm.s32 @p0 $0x1  }
0x13: {  	[smem:$0x3FB8] =	sst s0;
	s0 =	simm.s32 @!p1 $0x0  }
0x14: {  	s2 =	sld [smem:$0x3F9C];
	s0 =	simm.s32 @p1 $0x1  }
0x15: {  	[smem:$0x3FB9] =	sst s0;
	s0 =	simm.s32 @!p2 $0x0  }
0x16: {  	s3 =	sld [smem:$0x3FDB];
	s0 =	simm.s32 @p2 $0x1  }
0x17: {  	s4 =	simm.s32 $0x1BF5;
	[smem:$0x3FBB] =	sst s0  }
0x18: {  	s0 =	sld [smem:$0x3F9E];
	_ =	swait.ge [sflag:s4], $0x0  }
0x19: {  	s7 =	sld [smem:$0x3F9F]  }
0x1a: {  	s8 =	sadd.s32 $0xFFFFE003, lr  }
0x1b: {  	s9 =	sadd.s32 $0xFFFFFEF7, lr;
	s5 =	simm.s32 $0xFFFFFFFF;
	p2 =	slt.u32 s8, $0xFFFFF086  }
0x1c: {  	p1 =	slt.u32 s9, $0xF7A;
	s5 =	simm.s32 @!p2 $0x0  }
0x1d: {  	s5 =	simm.s32 @p1 $0x1;
	p0 =	seq.s32 s7, s2  }
0x1e: {  	s7 =	smul.u32 @!p0 $0xF7A, s2;
	p2 =	seq.s32 @!p0 s5, $0x0  }
0x1f: {  	s9 =	smul.u32 $0xF7A, s1;
	s8 =	simm.s32 @!p0 $0x1BF5;
	p2 =	por !p2, p0  }
0x20: {  	[sflag:s8] =	ssyncset.s32 @!p0 $0xFFFFF086;
	s6 =	sadd.s32 @!p0 s3, s7;
	s7 =	simm.s32 @!p0 $0x108  }
0x21: {  	s3 =	sadd.s32 s3, s9;
	s6 =	sadd.s32 @!p0 $0x88, s6;
	s7 =	simm.s32 @p2 $0x1082  }
0x22: {  	[simem:s7], [sflag:s8] =	dma.local @!p0 [hbm:s6], $0xF7A  }
0x23: {  	s9 =	sor.u32 $0xD0000000, s2;
	s6 =	simm.s32 $0x108;
	_ =	swait.ge @!p0 [sflag:s8], $0x0  }
0x24: {  	s3 =	sadd.s32 $0x88, s3;
	s6 =	simm.s32 @!p1 $0x1082;
	[sflag:s4] =	ssyncset.s32 $0xFFFFF086  }
0x25: {  	[simem:s6], [sflag:s4] =	dma.local [hbm:s3], $0xF7A  }
0x26: {  	[smem:$0x3F9F] =	sst s1;
	(tag) =	ssettag s2;
	_ =	strace s9  }
0x27: {  	s1 =	sld [smem:$0x3FAF]  }
0x28: {  	s2 =	sld [smem:$0x3FB0]  }
0x29: {  	s4 =	sld [smem:$0x3FB2]  }
0x2a: {  	p0 =	seq.s32 s5, $0x0;
	s5 =	sld [smem:$0x3FB3]  }
0x2b: {  	s6 =	sld [smem:$0x3FB4]  }
0x2c: {  	s7 =	sld [smem:$0x3FB5]  }
0x2d: {  	s3 =	simm.s32 $0x108;
	s8 =	sld [smem:$0x3FB6]  }
0x2e: {  	s3 =	simm.s32 @!p0 $0x1082;
	s9 =	sld [smem:$0x3FB7]  }
0x2f: {  	lr =	sadd.s32 s0, s3;
	s0 =	sld [smem:$0x3FAE]  }
0x30: {  	s3 =	sld [smem:$0x3FB1]  }
0x31: {  	[smem:$0x3FBA] =	sst s10  }
0x32: {  	s10 =	sld [smem:$0x3FB8];
	_ =	sdelay $0x3  }
0x33: {  	p0 =	seq.s32 s10, $0x1;
	s10 =	sld [smem:$0x3FBA];
	_ =	sdelay $0x3  }
0x34: {  	[smem:$0x3FBA] =	sst s10  }
0x35: {  	s10 =	sld [smem:$0x3FB9];
	_ =	sdelay $0x3  }
0x36: {  	p1 =	seq.s32 s10, $0x1;
	s10 =	sld [smem:$0x3FBA];
	_ =	sdelay $0x3  }
0x37: {  	[smem:$0x3FBA] =	sst s10  }
0x38: {  	s10 =	sld [smem:$0x3FBB]  }
0x39: {  	_ = 	snop;
	(pc) =	sbr.ind lr, $3  }
0x3a: {  	_ = 	snop  }
0x3b: {  	_ = 	snop  }
0x3c: {  	p2 =	seq.s32 s10, $0x1;
	s10 =	sld [smem:$0x3FBA]  }
0x3d: {  	_ =	shalt  }
0x3e: {  	_ =	shalt  }
0x3f: {  	_ =	shalt  }
0x40: {  	_ =	shalt  }
0x41: {  	_ =	shalt  }
0x42: {  	_ =	shalt  }
0x43: {  	_ =	shalt  }
0x44: {  	_ =	shalt  }
0x45: {  	_ =	shalt  }
0x46: {  	_ =	shalt  }
0x47: {  	_ =	shalt  }
0x48: {  	_ =	shalt  }
0x49: {  	_ =	shalt  }
0x4a: {  	_ =	shalt  }
0x4b: {  	_ =	shalt  }
0x4c: {  	_ =	shalt  }
0x4d: {  	_ =	shalt  }
0x4e: {  	_ =	shalt  }
0x4f: {  	_ =	shalt  }
0x50: {  	_ =	shalt  }
0x51: {  	_ =	shalt  }
0x52: {  	_ =	shalt  }
0x53: {  	_ =	shalt  }
0x54: {  	_ =	shalt  }
0x55: {  	_ =	shalt  }
0x56: {  	_ =	shalt  }
0x57: {  	_ =	shalt  }
0x58: {  	_ =	shalt  }
0x59: {  	_ =	shalt  }
0x5a: {  	_ =	shalt  }
0x5b: {  	_ =	shalt  }
0x5c: {  	_ =	shalt  }
0x5d: {  	_ =	shalt  }
0x5e: {  	_ =	shalt  }
0x5f: {  	_ =	shalt  }
0x60: {  	_ =	shalt  }
0x61: {  	_ =	shalt  }
0x62: {  	_ =	shalt  }
0x63: {  	_ =	shalt  }
0x64: {  	_ =	shalt  }
0x65: {  	_ =	shalt  }
0x66: {  	_ =	shalt  }
0x67: {  	_ =	shalt  }
0x68: {  	_ =	shalt  }
0x69: {  	_ =	shalt  }
0x6a: {  	_ =	shalt  }
0x6b: {  	_ =	shalt  }
0x6c: {  	_ =	shalt  }
0x6d: {  	_ =	shalt  }
0x6e: {  	_ =	shalt  }
0x6f: {  	_ =	shalt  }
0x70: {  	_ =	shalt  }
0x71: {  	_ =	shalt  }
0x72: {  	_ =	shalt  }
0x73: {  	_ =	shalt  }
0x74: {  	_ =	shalt  }
0x75: {  	_ =	shalt  }
0x76: {  	_ =	shalt  }
0x77: {  	_ =	shalt  }
0x78: {  	_ =	shalt  }
0x79: {  	_ =	shalt  }
0x7a: {  	_ =	shalt  }
0x7b: {  	_ =	shalt  }
0x7c: {  	_ =	shalt  }
0x7d: {  	_ =	shalt  }
0x7e: {  	_ =	shalt  }
0x7f: {  	_ =	shalt  }
0x80: {  	_ =	shalt  }
0x81: {  	_ =	shalt  }
0x82: {  	_ =	shalt  }
0x83: {  	_ =	shalt  }
0x84: {  	_ =	shalt  }
0x85: {  	_ =	shalt  }
0x86: {  	_ =	shalt  }
0x87: {  	_ =	shalt  }
.Lfunc_end0:
.L_simem_size_0:
called_computation_lowered:
.L_overlay_start_0:
0x88: {  	s2 =	sld [smem:$0x3FD9]  }
0x89: {  	s3 =	sld [smem:$0x3FFE];
	_ =	sdelay $0x1  }
0x8a: {  	s1 =	srdreg.scid  }
0x8b: {  	s0 =	sand.u32 $0x1, s1  }
0x8c: {  	s18 =	sshll.u32 s0, $0xA;
	s2 =	sadd.s32 s3, s2  }
0x8d: {  	s2 =	sadd.s32 s2, s18  }
0x8e: {  	[smem:$0x3FC6] =	sst s2  }
0x8f: {  	_ = 	snop  }
0x90: {  	s2 =	sld [smem:$0x3FC9]  }
0x91: {  	s19 =	sld [smem:$0x3FC8]  }
0x92: {  	s4 =	sld [smem:$0x3FD0];
	(tm) =	ssettm $0x1  }
0x93: {  	s5 =	sld [smem:$0x3FFB];
	_ =	sdelay $0x3  }
0x94: {  	_ =	strace s5  }
0x95: {  	s5 =	sld [smem:$0x3FFC];
	_ =	sdelay $0x3  }
0x96: {  	_ =	strace s5  }
0x97: {  	s5 =	sld [smem:$0x3FFD];
	_ =	sdelay $0x3  }
0x98: {  	_ =	strace s5  }
0x99: {  	_ =	strace $0x8FFFFFFF  }
0x9a: {  	s20 =	sld [smem:$0x3FDB];
	_ =	sdelay $0x1  }
0x9b: {  	s6 =	simm.s32 $_scs_section_size  }
0x9c: {  	s7 =	simm.s32 $_size__tile_overlayer_lowered;
	s8 =	simm.s32 $_tile_overlayer_lowered  }
0x9d: {  	s23 =	simm.s32 $0x1BFF;
	s22 =	sshll.u32 s8, $0x1;
	s5 =	sadd.s32 s6, s20  }
0x9e: {  	s9 =	simm.s32 $0x0;
	s21 =	sshll.u32 s7, $0x1;
	s7 =	sadd.s32 s22, s5  }
0x9f: {  	[timem:s9], [sflag:s23] =	dma.local [hbm:s7], s21  }
0xa0: {  	_ =	swait.ge [sflag:s23], s21  }
0xa1: {  	s6 =	ssub.s32 $0x0, s21;
	[sflag:s23] =	ssyncset.done $0x0  }
0xa2: {  	[sflag:s23] =	ssyncadd.s32 s6;
	_ =	sdelay $0x1  }
0xa3: {  	s24 =	simm.s32 $0x1B8B  }
0xa4: {  	_ =	swait.ge [sflag:s24], $0x1  }
0xa5: {  	[sflag:s24] =	ssyncset.done $0x0  }
0xa6: {  	s25 =	simm.s32 $0x1B8E;
	[sflag:s24] =	ssyncadd.s32 $0xFFFFFFFF  }
0xa7: {  	s26 =	simm.s32 $execute0_lowered;
	[smem:$0x3FD2] =	sst s25  }
0xa8: {  	s6 =	sshll.u32 s26, $0x1;
	_ =	strace $0x80000046;
	[dreg:$0x1] =	wrdreg $0xFFFFFFFF  }
0xa9: {  	s28 =	simm.s32 $_size_execute0_lowered;
	s5 =	sadd.s32 s5, s6;
	[dreg:$0x0] =	wrdreg $0x0  }
0xaa: {  	s6 =	sshll.u32 s28, $0x1;
	[dreg:$0x2] =	wrdreg s5  }
0xab: {  	[dreg:$0x3] =	wrdreg s6  }
0xac: {  	[dreg:$0x4] =	wrdreg $0xC0  }
0xad: {  	_ =	task [dreg:s9], $0x5FFFF  }
0xae: {  	[dreg:$0x1] =	wrdreg $0xFFFFFFFF  }
0xaf: {  	[dreg:$0x0] =	wrdreg $0x60  }
0xb0: {  	[dreg:$0x2] =	wrdreg s2  }
0xb1: {  	[dreg:$0x3] =	wrdreg s19  }
0xb2: {  	[dreg:$0x4] =	wrdreg s4  }
0xb3: {  	[dreg:$0x5] =	wrdreg $0x10D000  }
0xb4: {  	[dreg:$0x6] =	wrdreg $0x9  }
0xb5: {  	_ =	task.clear_ibuf [dreg:s9], $0x7FFFF;
	_ =	strace $0x90000046  }
0xb6: {  	s29 =	simm.s32 $0x9;
	_ =	strace $0x80000048  }
0xb7: {  	_ =	swait.ge [sflag:s29], $0x1  }
0xb8: {  	[sflag:s29] =	ssyncadd.s32 $0xFFFFFFFF  }
0xb9: {  	_ =	strace $0x90000048  }
0xba: {  	_ =	sfence  }
0xbb: {  	s30 =	sld [smem:$0x0];
	_ =	sdelay $0x2  }
0xbc: {  	s31 =	sshll.u32 s1, $0xD;
	s1 =	sshrl.u32 s1, $0x2  }
0xbd: {  	s3 =	sand.u32 $0x4000, s31;
	s1 =	sadd.s32 s1, s30  }
0xbe: {  	s0 =	sor.u32 s3, s0;
	s1 =	sshll.u32 s1, $0x11  }
0xbf: {  	s0 =	sor.u32 s1, s0  }
0xc0: {  	s0 =	sadd.s32 $0x8F2B, s0  }
0xc1: {  	[sflag:s0] =	ssyncadd.remote.s32 $0x1  }
0xc2: {  	_ =	sfence.sel $0xFFFF  }
0xc3: {  	[dreg:$0x0] =	wrdreg $0xFFFFFFFF;
	(pc) =	sbr.abs _section_cstart, $3  }
0xc4: {  	[dreg:$0x1] =	wrdreg $0xFFFFFFFF  }
0xc5: {  	_ =	task.clear_ibuf [dreg:s9], $0x2FFFF;
	_ =	strace $0x9FFFFFFF  }
0xc6: {  	(tm) =	ssettm $0x7FFFFFFF  }
0xc7: {  	_ =	shalt  }
tec
execute0_lowered:
.L_overlay_start_1:
0x0: {  	(tag) =	ssettag $0x1  }
0x1: {  	s1 =	rddreg [dreg:$0x0]  }
0x2: {  	s0 =	rddreg [dreg:$0x2]  }
0x3: {  	s2 =	rddreg [dreg:$0x3]  }
0x4: {  	s3 =	srdreg.scid;
	s13 =	stileid.u32;
	s6 =	simm.s32 $0x0  }
0x5: {  	s14 =	simm.s32 $0x3;
	s15 =	simm.s32 $0x8000;
	s16 =	simm.s32 $0x1  }
0x6: {  	s17 =	simm.s32 $0x10000;
	s18 =	simm.s32 $0x10100;
	s19 =	simm.s32 $0x10200  }
0x7: {  	s20 =	simm.s32 $0x10300;
	s21 =	simm.s32 $0x10400;
	s22 =	simm.s32 $0x10500  }
0x8: {  	s23 =	simm.s32 $0x10600;
	s28 =	simm.s32 $0x400;
	s30 =	simm.s32 $0x0  }
0x9: {  	s3 =	sand.u32 $0x1, s3;
	s4 =	sshll.u32 s13, $0x13;
	[smem:$0x7FF] =	sst s6  }
0xa: {  	s26 =	sshll.u32 s13, $0x8;
	s8 =	sshll.u32 s13, $0x7;
	s10 =	sshll.u32 s13, $0x9  }
0xb: {  	p0 =	sgt.u32 s13, $0x7;
	s5 =	sshll.u32 s3, $0x17;
	s24 =	ssub.s32 $0x2, s3  }
0xc: {  	_ =	strace $0x80000047;
	s11 =	sand.u32 $0x800, s26;
	s12 =	sand.u32 $0x380, s8  }
0xd: {  	s10 =	sand.u32 $0x800, s10;
	s3 =	sshll.u32 s3, $0xB;
	s4 =	sor.u32 s4, s5  }
0xe: {  	s25 =	sshrl.u32 s24, $0x1;
	s10 =	sadd.s32 s10, s2;
	s2 =	sadd.s32 s11, s2  }
0xf: {  	s3 =	sor.u32 s8, s3;
	s7 =	sshrl.u32 s4, $0x3;
	s9 =	ssub.s32 s24, s25  }
0x10: {  	s6 =	sor.u32 $0x10000, s4;
	s8 =	sadd.s32 s12, s2;
	s31 =	sshrl.u32 s3, $0x3  }
.Ltmp0:
0x11: {  	s12 =	sor.u32 $0x8000, s4;
	s24 =	simm.s32 $0x10700;
	(pc) =	sbr.rel .LBB2_1-.Ltmp0, $4  }
0x12: {  	s5 =	sadd.s32 s1, s7;
	s7 =	sand.u32 $0x300, s26;
	s0 =	sadd.s32 s0, s31  }
0x13: {  	s25 =	simm.s32 $0x2;
	s7 =	sadd.s32 s7, s10;
	[dreg:$0x7] =	wrdreg s0  }
0x14: {  	s3 =	simm.s32 $0x0;
	[dreg:$0x5] =	wrdreg s7;
	s29 =	sadd.s32 $0x80, s7  }
0x15: {  	v0 =	vimm.f32 $0.0e+00;
	v1 =	vimm.f32 $1.000000000e+00;
	s11 =	smax.u32 s9, $0x1;
	s26 =	simm.s32 $0x80;
	[dreg:$0x6] =	wrdreg s29  }
.LBB2_14:
0x16: {  	v2 =	vadd.f32 v3, v2;
	_ =	sdelay $0x1  }
0x17: {  	v2 =	vmul.f32 v4, v2;
	_ =	sdelay $0x1  }
0x18: {  	s31 =	rddreg [dreg:$0x7];
	s2 =	simm.s32 $0x10C00;
	[tilespmem:s0+$0x10C00] =	vst v2  }
0x19: {  	[hbm4b:s31+s26] =	stream.strided.scatter [tilespmem:s2], [sflag:$0x3], $0x100, s28, s26, $0x38;
	[tilespmem:$0x10E00] =	vst v63  }
0x1a: {  	_ =	swait.ge [sflag:s14], $0x100  }
0x1b: {  	[sflag:s14] =	ssyncset.done $0x0  }
0x1c: {  	[sflag:s14] =	ssyncadd.s32 $0xFFFFFF00  }
.LBB2_15:
0x1d: {  	s3 =	sadd.s32 $0x1, s3  }
0x1e: {  	p1 =	sne.s32 s3, s11  }
.Ltmp1:
0x1f: {  	_ = 	snop;
	(pc) =	sbr.rel @!p1 .LBB2_16-.Ltmp1, $1  }
0x20: {  	_ =	sdelay $0x3  }
.LBB2_1:
0x21: {  	s0 =	simm.s32 $0x0  }
0x22: {  	[tilespmem:s0], [sflag:$0x1] =	stream.linear.gather [hbm4b:s5+s0], $0x8000, $0x38;
	[tilespmem:$0x10E00] =	vst v63  }
0x23: {  	s2 =	simm.s32 $0x40;
	s0 =	simm.s32 $0x0  }
.LBB2_2:
0x24: {  	p1 =	sne.s32 s2, $0x3C0;
	[tilespmem:s0+$0x10700] =	vst v0  }
0x25: {  	[tilespmem:s0+$0x10000] =	vst v0  }
0x26: {  	[tilespmem:s0+$0x10100] =	vst v0  }
.Ltmp2:
0x27: {  	[tilespmem:s0+$0x10200] =	vst v0;
	(pc) =	sbr.rel @p1 .LBB2_2-.Ltmp2, $4  }
0x28: {  	[tilespmem:s0+$0x10300] =	vst v0  }
0x29: {  	[tilespmem:s0+$0x10400] =	vst v0  }
0x2a: {  	[tilespmem:s0+$0x10500] =	vst v0  }
0x2b: {  	[tilespmem:s0+$0x10600] =	vst v0;
	s0 =	sshra.s32 s2, $0x2;
	s2 =	sadd.s32 $0x40, s2  }
0x2c: {  	[tilespmem:s0+$0x10700] =	vst v0  }
0x2d: {  	[tilespmem:s0+$0x10000] =	vst v0  }
0x2e: {  	[tilespmem:s0+$0x10100] =	vst v0  }
0x2f: {  	[tilespmem:s0+$0x10200] =	vst v0  }
0x30: {  	[tilespmem:s0+$0x10300] =	vst v0  }
0x31: {  	[tilespmem:s0+$0x10400] =	vst v0  }
0x32: {  	[tilespmem:s0+$0x10500] =	vst v0  }
0x33: {  	[tilespmem:s0+$0x10600] =	vst v0;
	s29 =	rddreg [dreg:$0x1];
	s2 =	simm.s32 $0x10900  }
0x34: {  	[tilespmem:s2], [sflag:$0x3] =	stream.linear.gather [hbm4b:s29+s30], $0x100, $0x38;
	[tilespmem:$0x10E00] =	vst v63  }
0x35: {  	_ =	swait.ge [sflag:s14], $0x100  }
0x36: {  	[sflag:s14] =	ssyncset.done $0x0  }
0x37: {  	s31 =	simm.s32 $0x0;
	[sflag:s14] =	ssyncadd.s32 $0xFFFFFF00  }
.LBB2_4:
0x38: {  	s0 =	sshll.u32 s31, $0x10  }
0x39: {  	s2 =	sadd.s32 s12, s0  }
0x3a: {  	s2 =	sshrl.u32 s2, $0x3  }
0x3b: {  	s2 =	sadd.s32 s1, s2  }
0x3c: {  	[tilespmem:s15], [sflag:$0x2] =	stream.linear.gather [hbm4b:s2+s30], $0x8000, $0x38;
	[tilespmem:$0x10E00] =	vst v63  }
0x3d: {  	_ =	swait.ge [sflag:s16], $0x8000  }
0x3e: {  	p1 =	por $0x0, $0x0;
	s13 =	simm.s32 $0x0;
	[sflag:s16] =	ssyncset.done $0x0  }
0x3f: {  	s4 =	simm.s32 $0x0;
	s2 =	simm.s32 $0xFFFFFFFC;
	[sflag:s16] =	ssyncadd.s32 $0xFFFF8000  }
.LBB2_5:
0x40: {  	s9 =	sand.u32 $0x7800, s13;
	s29 =	sand.u32 $0x200, s4  }
0x41: {  	s29 =	sor.u32 s29, s9  }
0x42: {  	v2 =	vld [tilespmem:s29+$0x0]  }
0x43: {  	v3 =	vld [tilespmem:s29+$0x10]  }
0x44: {  	v4 =	vld [tilespmem:s29+$0x20]  }
0x45: {  	v5 =	vld [tilespmem:s29+$0x30]  }
0x46: {  	v6 =	vld [tilespmem:s29+$0x40]  }
0x47: {  	v7 =	vld [tilespmem:s29+$0x50]  }
0x48: {  	v8 =	vld [tilespmem:s29+$0x60]  }
0x49: {  	v9 =	vld [tilespmem:s29+$0x70]  }
0x4a: {  	v41 =	vld [tilespmem:s29+$0x80]  }
0x4b: {  	v42 =	vld [tilespmem:s29+$0x90]  }
0x4c: {  	v43 =	vld [tilespmem:s29+$0xB0]  }
0x4d: {  	v44 =	vld [tilespmem:s29+$0xC0]  }
0x4e: {  	s9 =	simm.s32 $0x1;
	v46 =	vld [tilespmem:s29+$0xD0]  }
0x4f: {  	s9 =	simm.s32 @!p1 $0x0;
	v48 =	vld [tilespmem:s29+$0xE0]  }
0x50: {  	v49 =	vld [tilespmem:s29+$0xF0];
	s9 =	sshll.u32 s9, $0x9  }
0x51: {  	v18 =	vld [tilespmem:s29+$0x160];
	s9 =	sadd.s32 s9, s13  }
0x52: {  	v19 =	vld [tilespmem:s29+$0x170];
	s10 =	sor.u32 $0x400, s9  }
0x53: {  	s7 =	sor.u32 $0x410, s9;
	v10 =	vld [tilespmem:s10+$0x0]  }
0x54: {  	v11 =	vld [tilespmem:s7+$0x0];
	s7 =	sor.u32 $0x420, s9  }
0x55: {  	v12 =	vld [tilespmem:s7+$0x0]  }
0x56: {  	s7 =	sor.u32 $0x430, s9;
	v45 =	vmul.f32 $2.560000000e+02, v42;
	v42 =	vld [tilespmem:s29+$0x1C0]  }
0x57: {  	v13 =	vld [tilespmem:s7+$0x0];
	s7 =	sor.u32 $0x440, s9  }
0x58: {  	v14 =	vld [tilespmem:s7+$0x0]  }
0x59: {  	s7 =	sor.u32 $0x450, s9;
	v47 =	vtrunc.f32 v45;
	v45 =	vld [tilespmem:s29+$0x1F0]  }
0x5a: {  	v2 =	vmul.f32 $2.560000000e+02, v2;
	v3 =	vmul.f32 $2.560000000e+02, v3;
	v15 =	vld [tilespmem:s7+$0x0];
	s7 =	sor.u32 $0x460, s9  }
0x5b: {  	s10 =	sadd.s32 $0x80, s9;
	v4 =	vmul.f32 $2.560000000e+02, v4;
	v5 =	vmul.f32 $2.560000000e+02, v5;
	v16 =	vld [tilespmem:s7+$0x0];
	s7 =	sor.u32 $0x470, s9  }
0x5c: {  	v6 =	vmul.f32 $2.560000000e+02, v6;
	v2 =	vtrunc.f32 v2;
	v17 =	vld [tilespmem:s7+$0x0];
	s7 =	sor.u32 $0x400, s10  }
0x5d: {  	v7 =	vmul.f32 $2.560000000e+02, v7;
	v2 =	vcvt.f32.s32 v2;
	v50 =	vld [tilespmem:s7+$0x0]  }
0x5e: {  	v8 =	vmul.f32 $2.560000000e+02, v8;
	v33 =	vmul.f32 $2.560000000e+02, v13;
	s7 =	sor.u32 $0x410, s10;
	v13 =	vld [tilespmem:s29+$0x100]  }
0x5f: {  	v9 =	vmul.f32 $2.560000000e+02, v9;
	v3 =	vtrunc.f32 v3;
	v51 =	vld [tilespmem:s7+$0x0]  }
0x60: {  	v3 =	vcvt.f32.s32 v3;
	v36 =	vmul.f32 $2.560000000e+02, v14;
	s7 =	sor.u32 $0x420, s10;
	v14 =	vld [tilespmem:s29+$0x110]  }
0x61: {  	v4 =	vtrunc.f32 v4;
	v5 =	vtrunc.f32 v5;
	v52 =	vld [tilespmem:s7+$0x0]  }
0x62: {  	v6 =	vtrunc.f32 v6;
	v38 =	vmul.f32 $2.560000000e+02, v15;
	v15 =	vld [tilespmem:s29+$0x120]  }
0x63: {  	v7 =	vtrunc.f32 v7;
	v4 =	vcvt.f32.s32 v4;
	s7 =	sor.u32 $0x430, s10;
	[tilespmem:v2+s17+$0x0] =	vst.idx.add.f32.msk $0xffff, v1  }
0x64: {  	v8 =	vtrunc.f32 v8;
	v9 =	vtrunc.f32 v9;
	v53 =	vld [tilespmem:s7+$0x0]  }
0x65: {  	v5 =	vcvt.f32.s32 v5;
	v39 =	vmul.f32 $2.560000000e+02, v16;
	v16 =	vld [tilespmem:s29+$0x140]  }
0x66: {  	v6 =	vcvt.f32.s32 v6;
	v7 =	vcvt.f32.s32 v7;
	s7 =	sor.u32 $0x440, s10;
	[tilespmem:v3+s18+$0x0] =	vst.idx.add.f32.msk $0xffff, v1  }
0x67: {  	v8 =	vcvt.f32.s32 v8;
	v10 =	vmul.f32 $2.560000000e+02, v10;
	v54 =	vld [tilespmem:s7+$0x0]  }
0x68: {  	v9 =	vcvt.f32.s32 v9;
	v40 =	vmul.f32 $2.560000000e+02, v17;
	v17 =	vld [tilespmem:s29+$0x150]  }
0x69: {  	v11 =	vmul.f32 $2.560000000e+02, v11;
	v10 =	vtrunc.f32 v10;
	s7 =	sor.u32 $0x450, s10;
	[tilespmem:v4+s19+$0x0] =	vst.idx.add.f32.msk $0xffff, v1  }
0x6a: {  	v12 =	vmul.f32 $2.560000000e+02, v12;
	v2 =	vcvt.f32.s32 v10;
	v55 =	vld [tilespmem:s7+$0x0]  }
0x6b: {  	v32 =	vtrunc.f32 v11;
	[tilespmem:v5+s20+$0x0] =	vst.idx.add.f32.msk $0xffff, v1  }
0x6c: {  	v34 =	vcvt.f32.s32 v32;
	v3 =	vtrunc.f32 v12;
	[tilespmem:v6+s21+$0x0] =	vst.idx.add.f32.msk $0xffff, v1  }
0x6d: {  	v35 =	vtrunc.f32 v33;
	v3 =	vcvt.f32.s32 v3;
	[tilespmem:v7+s22+$0x0] =	vst.idx.add.f32.msk $0xffff, v1  }
0x6e: {  	v37 =	vtrunc.f32 v36;
	v5 =	vcvt.f32.s32 v35;
	[tilespmem:v8+s23+$0x0] =	vst.idx.add.f32.msk $0xffff, v1  }
0x6f: {  	v6 =	vcvt.f32.s32 v37;
	v7 =	vtrunc.f32 v38;
	[tilespmem:v9+s24+$0x0] =	vst.idx.add.f32.msk $0xffff, v1  }
0x70: {  	s7 =	sor.u32 $0x460, s10;
	[tilespmem:v2+s17+$0x0] =	vst.idx.add.f32.msk $0xffff, v1;
	v2 =	vcvt.f32.s32 v7  }
0x71: {  	v56 =	vld [tilespmem:s7+$0x0]  }
0x72: {  	[tilespmem:v34+s18+$0x0] =	vst.idx.add.f32.msk $0xffff, v1  }
0x73: {  	[tilespmem:v3+s19+$0x0] =	vst.idx.add.f32.msk $0xffff, v1  }
0x74: {  	[tilespmem:v5+s20+$0x0] =	vst.idx.add.f32.msk $0xffff, v1  }
0x75: {  	v3 =	vtrunc.f32 v39;
	[tilespmem:v6+s21+$0x0] =	vst.idx.add.f32.msk $0xffff, v1  }
0x76: {  	v10 =	vmul.f32 $2.560000000e+02, v50;
	v3 =	vcvt.f32.s32 v3;
	[tilespmem:v2+s22+$0x0] =	vst.idx.add.f32.msk $0xffff, v1  }
0x77: {  	s10 =	sor.u32 $0x470, s10;
	v4 =	vtrunc.f32 v40;
	v11 =	vmul.f32 $2.560000000e+02, v51;
	v2 =	vld [tilespmem:s29+$0xA0]  }
0x78: {  	v57 =	vld [tilespmem:s10+$0x0];
	v4 =	vcvt.f32.s32 v4;
	v10 =	vtrunc.f32 v10  }
0x79: {  	v35 =	vld [tilespmem:s29+$0x180];
	v58 =	vmul.f32 $2.560000000e+02, v52;
	v8 =	vmul.f32 $2.560000000e+02, v44  }
0x7a: {  	v40 =	vld [tilespmem:s29+$0x1B0];
	v9 =	vmul.f32 $2.560000000e+02, v49;
	v5 =	vmul.f32 $2.560000000e+02, v41  }
0x7b: {  	s7 =	sadd.s32 $0x100, s9;
	v37 =	vld [tilespmem:s29+$0x190];
	v7 =	vmul.f32 $2.560000000e+02, v43;
	v8 =	vtrunc.f32 v8  }
0x7c: {  	s10 =	sor.u32 $0x400, s7;
	[tilespmem:v3+s23+$0x0] =	vst.idx.add.f32.msk $0xffff, v1;
	v3 =	vtrunc.f32 v5;
	v2 =	vmul.f32 $2.560000000e+02, v2  }
0x7d: {  	v20 =	vld [tilespmem:s10+$0x0];
	v7 =	vtrunc.f32 v7;
	v3 =	vcvt.f32.s32 v3  }
0x7e: {  	s10 =	sor.u32 $0x410, s7;
	[tilespmem:v4+s24+$0x0] =	vst.idx.add.f32.msk $0xffff, v1;
	v4 =	vcvt.f32.s32 v47;
	v2 =	vtrunc.f32 v2  }
0x7f: {  	v21 =	vld [tilespmem:s10+$0x0];
	s10 =	sor.u32 $0x420, s7;
	v6 =	vmul.f32 $2.560000000e+02, v46;
	v2 =	vcvt.f32.s32 v2  }
0x80: {  	v22 =	vld [tilespmem:s10+$0x0];
	s10 =	sor.u32 $0x430, s7;
	v7 =	vcvt.f32.s32 v7;
	v5 =	vmul.f32 $2.560000000e+02, v48  }
0x81: {  	v23 =	vld [tilespmem:s10+$0x0];
	s10 =	sor.u32 $0x440, s7;
	v8 =	vcvt.f32.s32 v8;
	v6 =	vtrunc.f32 v6  }
0x82: {  	v24 =	vld [tilespmem:s10+$0x0];
	v6 =	vcvt.f32.s32 v6;
	v5 =	vtrunc.f32 v5  }
0x83: {  	v9 =	vtrunc.f32 v9;
	v5 =	vcvt.f32.s32 v5;
	[tilespmem:v3+s17+$0x0] =	vst.idx.add.f32.msk $0xffff, v1  }
0x84: {  	v10 =	vcvt.f32.s32 v10;
	v9 =	vcvt.f32.s32 v9;
	[tilespmem:v4+s18+$0x0] =	vst.idx.add.f32.msk $0xffff, v1  }
0x85: {  	v59 =	vmul.f32 $2.560000000e+02, v53;
	v3 =	vtrunc.f32 v11;
	[tilespmem:v2+s19+$0x0] =	vst.idx.add.f32.msk $0xffff, v1  }
0x86: {  	v3 =	vcvt.f32.s32 v3;
	v2 =	vtrunc.f32 v58;
	[tilespmem:v7+s20+$0x0] =	vst.idx.add.f32.msk $0xffff, v1  }
0x87: {  	v60 =	vmul.f32 $2.560000000e+02, v54;
	v2 =	vcvt.f32.s32 v2;
	[tilespmem:v8+s21+$0x0] =	vst.idx.add.f32.msk $0xffff, v1  }
0x88: {  	v63 =	vmul.f32 $2.560000000e+02, v55;
	[tilespmem:v6+s22+$0x0] =	vst.idx.add.f32.msk $0xffff, v1  }
0x89: {  	v61 =	vtrunc.f32 v60;
	v4 =	vtrunc.f32 v59;
	[tilespmem:v5+s23+$0x0] =	vst.idx.add.f32.msk $0xffff, v1  }
0x8a: {  	v12 =	vmul.f32 $2.560000000e+02, v56;
	v4 =	vcvt.f32.s32 v4;
	[tilespmem:v9+s24+$0x0] =	vst.idx.add.f32.msk $0xffff, v1  }
0x8b: {  	v62 =	vcvt.f32.s32 v61;
	v11 =	vtrunc.f32 v63;
	[tilespmem:v10+s17+$0x0] =	vst.idx.add.f32.msk $0xffff, v1  }
0x8c: {  	v5 =	vcvt.f32.s32 v11;
	[tilespmem:v3+s18+$0x0] =	vst.idx.add.f32.msk $0xffff, v1;
	v3 =	vtrunc.f32 v12  }
0x8d: {  	[tilespmem:v2+s19+$0x0] =	vst.idx.add.f32.msk $0xffff, v1;
	v2 =	vcvt.f32.s32 v3  }
0x8e: {  	v44 =	vld [tilespmem:s29+$0x1E0]  }
0x8f: {  	v43 =	vld [tilespmem:s29+$0x1D0];
	v29 =	vmul.f32 $2.560000000e+02, v22  }
0x90: {  	v3 =	vmul.f32 $2.560000000e+02, v57;
	[tilespmem:v4+s20+$0x0] =	vst.idx.add.f32.msk $0xffff, v1  }
0x91: {  	v31 =	vmul.f32 $2.560000000e+02, v23;
	v30 =	vtrunc.f32 v29;
	[tilespmem:v62+s21+$0x0] =	vst.idx.add.f32.msk $0xffff, v1  }
0x92: {  	v33 =	vmul.f32 $2.560000000e+02, v24;
	v3 =	vtrunc.f32 v3;
	[tilespmem:v5+s22+$0x0] =	vst.idx.add.f32.msk $0xffff, v1  }
0x93: {  	v7 =	vmul.f32 $2.560000000e+02, v16;
	v3 =	vcvt.f32.s32 v3;
	[tilespmem:v2+s23+$0x0] =	vst.idx.add.f32.msk $0xffff, v1  }
0x94: {  	s10 =	sor.u32 $0x450, s7;
	v8 =	vmul.f32 $2.560000000e+02, v17;
	v6 =	vmul.f32 $2.560000000e+02, v14;
	v2 =	vld [tilespmem:s29+$0x130]  }
0x95: {  	v25 =	vld [tilespmem:s10+$0x0];
	v7 =	vtrunc.f32 v7;
	v4 =	vmul.f32 $2.560000000e+02, v13  }
0x96: {  	s10 =	sor.u32 $0x460, s7;
	v39 =	vld [tilespmem:s29+$0x1A0];
	v8 =	vtrunc.f32 v8;
	v7 =	vcvt.f32.s32 v7  }
0x97: {  	s7 =	sor.u32 $0x470, s7;
	v26 =	vld [tilespmem:s10+$0x0];
	v11 =	vmul.f32 $2.560000000e+02, v21;
	v4 =	vtrunc.f32 v4  }
0x98: {  	v27 =	vld [tilespmem:s7+$0x0];
	s7 =	sadd.s32 $0x180, s9;
	v5 =	vmul.f32 $2.560000000e+02, v15;
	v4 =	vcvt.f32.s32 v4  }
0x99: {  	s10 =	sor.u32 $0x410, s7;
	[tilespmem:v3+s24+$0x0] =	vst.idx.add.f32.msk $0xffff, v1;
	v3 =	vtrunc.f32 v6;
	v2 =	vmul.f32 $2.560000000e+02, v2  }
0x9a: {  	v49 =	vld [tilespmem:s10+$0x0];
	s10 =	sor.u32 $0x430, s7;
	v5 =	vtrunc.f32 v5;
	v3 =	vcvt.f32.s32 v3  }
0x9b: {  	v51 =	vld [tilespmem:s10+$0x0];
	s10 =	sor.u32 $0x450, s7;
	v5 =	vcvt.f32.s32 v5;
	v2 =	vtrunc.f32 v2  }
0x9c: {  	v53 =	vld [tilespmem:s10+$0x0];
	s29 =	sor.u32 $0x420, s7;
	v6 =	vmul.f32 $2.560000000e+02, v18;
	v2 =	vcvt.f32.s32 v2  }
0x9d: {  	v8 =	vcvt.f32.s32 v8;
	v9 =	vmul.f32 $2.560000000e+02, v19;
	v50 =	vld [tilespmem:s29+$0x0];
	s29 =	sor.u32 $0x440, s7  }
0x9e: {  	v10 =	vmul.f32 $2.560000000e+02, v20;
	v52 =	vld [tilespmem:s29+$0x0];
	v6 =	vtrunc.f32 v6  }
0x9f: {  	v9 =	vtrunc.f32 v9;
	[tilespmem:v4+s17+$0x0] =	vst.idx.add.f32.msk $0xffff, v1;
	v6 =	vcvt.f32.s32 v6  }
0xa0: {  	v9 =	vcvt.f32.s32 v9;
	v10 =	vtrunc.f32 v10;
	[tilespmem:v3+s18+$0x0] =	vst.idx.add.f32.msk $0xffff, v1  }
0xa1: {  	v28 =	vtrunc.f32 v11;
	v3 =	vcvt.f32.s32 v10;
	[tilespmem:v5+s19+$0x0] =	vst.idx.add.f32.msk $0xffff, v1  }
0xa2: {  	v32 =	vtrunc.f32 v31;
	v4 =	vcvt.f32.s32 v28;
	[tilespmem:v2+s20+$0x0] =	vst.idx.add.f32.msk $0xffff, v1  }
0xa3: {  	v11 =	vmul.f32 $2.560000000e+02, v45;
	v2 =	vcvt.f32.s32 v30;
	[tilespmem:v7+s21+$0x0] =	vst.idx.add.f32.msk $0xffff, v1  }
0xa4: {  	v34 =	vmul.f32 $2.560000000e+02, v25;
	v36 =	vmul.f32 $2.560000000e+02, v26;
	[tilespmem:v8+s22+$0x0] =	vst.idx.add.f32.msk $0xffff, v1  }
0xa5: {  	v38 =	vmul.f32 $2.560000000e+02, v27;
	v11 =	vtrunc.f32 v11;
	[tilespmem:v6+s23+$0x0] =	vst.idx.add.f32.msk $0xffff, v1  }
0xa6: {  	v59 =	vmul.f32 $2.560000000e+02, v53;
	v11 =	vcvt.f32.s32 v11;
	[tilespmem:v9+s24+$0x0] =	vst.idx.add.f32.msk $0xffff, v1  }
0xa7: {  	v5 =	vcvt.f32.s32 v32;
	[tilespmem:v3+s17+$0x0] =	vst.idx.add.f32.msk $0xffff, v1;
	v3 =	vtrunc.f32 v33  }
0xa8: {  	v13 =	vmul.f32 $2.560000000e+02, v51;
	[tilespmem:v4+s18+$0x0] =	vst.idx.add.f32.msk $0xffff, v1;
	v3 =	vcvt.f32.s32 v3  }
0xa9: {  	v62 =	vtrunc.f32 v59;
	[tilespmem:v2+s19+$0x0] =	vst.idx.add.f32.msk $0xffff, v1;
	v2 =	vtrunc.f32 v34  }
0xaa: {  	v10 =	vmul.f32 $2.560000000e+02, v44;
	v2 =	vcvt.f32.s32 v2  }
0xab: {  	v12 =	vmul.f32 $2.560000000e+02, v50;
	v57 =	vmul.f32 $2.560000000e+02, v52  }
0xac: {  	v10 =	vtrunc.f32 v10;
	v7 =	vtrunc.f32 v38  }
0xad: {  	v41 =	vcvt.f32.s32 v7;
	v8 =	vmul.f32 $2.560000000e+02, v39;
	[tilespmem:v5+s20+$0x0] =	vst.idx.add.f32.msk $0xffff, v1  }
0xae: {  	v6 =	vtrunc.f32 v36;
	[tilespmem:v3+s21+$0x0] =	vst.idx.add.f32.msk $0xffff, v1;
	v3 =	vmul.f32 $2.560000000e+02, v35  }
0xaf: {  	v7 =	vmul.f32 $2.560000000e+02, v42;
	v6 =	vcvt.f32.s32 v6  }
0xb0: {  	[tilespmem:v2+s22+$0x0] =	vst.idx.add.f32.msk $0xffff, v1;
	v2 =	vtrunc.f32 v3;
	v3 =	vmul.f32 $2.560000000e+02, v37  }
0xb1: {  	s9 =	sor.u32 $0x400, s7;
	v9 =	vmul.f32 $2.560000000e+02, v40;
	v8 =	vtrunc.f32 v8  }
0xb2: {  	v47 =	vld [tilespmem:s9+$0x0];
	v2 =	vcvt.f32.s32 v2;
	v3 =	vtrunc.f32 v3  }
0xb3: {  	s29 =	sor.u32 $0x460, s7;
	v8 =	vcvt.f32.s32 v8;
	v3 =	vcvt.f32.s32 v3  }
0xb4: {  	v54 =	vld [tilespmem:s29+$0x0];
	v46 =	vtrunc.f32 v9;
	v5 =	vmul.f32 $2.560000000e+02, v43  }
0xb5: {  	s7 =	sor.u32 $0x470, s7;
	v48 =	vtrunc.f32 v7;
	[tilespmem:v6+s23+$0x0] =	vst.idx.add.f32.msk $0xffff, v1;
	v6 =	vcvt.f32.s32 v46  }
0xb6: {  	v55 =	vld [tilespmem:s7+$0x0];
	v4 =	vcvt.f32.s32 v48;
	v5 =	vtrunc.f32 v5  }
0xb7: {  	v9 =	vmul.f32 $2.560000000e+02, v47;
	v5 =	vcvt.f32.s32 v5;
	[tilespmem:v41+s24+$0x0] =	vst.idx.add.f32.msk $0xffff, v1  }
0xb8: {  	v10 =	vcvt.f32.s32 v10;
	v7 =	vmul.f32 $2.560000000e+02, v49;
	[tilespmem:v2+s17+$0x0] =	vst.idx.add.f32.msk $0xffff, v1  }
0xb9: {  	v56 =	vtrunc.f32 v12;
	v9 =	vtrunc.f32 v9;
	[tilespmem:v3+s18+$0x0] =	vst.idx.add.f32.msk $0xffff, v1  }
0xba: {  	v7 =	vtrunc.f32 v7;
	v9 =	vcvt.f32.s32 v9;
	[tilespmem:v8+s19+$0x0] =	vst.idx.add.f32.msk $0xffff, v1  }
0xbb: {  	v61 =	vmul.f32 $2.560000000e+02, v54;
	v2 =	vcvt.f32.s32 v7;
	[tilespmem:v6+s20+$0x0] =	vst.idx.add.f32.msk $0xffff, v1  }
0xbc: {  	v7 =	vcvt.f32.s32 v56;
	v3 =	vtrunc.f32 v13;
	[tilespmem:v4+s21+$0x0] =	vst.idx.add.f32.msk $0xffff, v1  }
0xbd: {  	v58 =	vtrunc.f32 v57;
	v3 =	vcvt.f32.s32 v3;
	[tilespmem:v5+s22+$0x0] =	vst.idx.add.f32.msk $0xffff, v1  }
0xbe: {  	v63 =	vmul.f32 $2.560000000e+02, v55;
	v60 =	vcvt.f32.s32 v58;
	[tilespmem:v10+s23+$0x0] =	vst.idx.add.f32.msk $0xffff, v1  }
0xbf: {  	v6 =	vtrunc.f32 v61;
	v5 =	vcvt.f32.s32 v62;
	[tilespmem:v11+s24+$0x0] =	vst.idx.add.f32.msk $0xffff, v1  }
0xc0: {  	v8 =	vtrunc.f32 v63;
	v6 =	vcvt.f32.s32 v6;
	[tilespmem:v9+s17+$0x0] =	vst.idx.add.f32.msk $0xffff, v1  }
0xc1: {  	s2 =	sadd.s32 $0x4, s2;
	v8 =	vcvt.f32.s32 v8;
	[tilespmem:v2+s18+$0x0] =	vst.idx.add.f32.msk $0xffff, v1  }
0xc2: {  	p2 =	slt.u32 s2, $0x7C;
	[tilespmem:v7+s19+$0x0] =	vst.idx.add.f32.msk $0xffff, v1  }
.Ltmp3:
0xc3: {  	[tilespmem:v3+s20+$0x0] =	vst.idx.add.f32.msk $0xffff, v1;
	(pc) =	sbr.rel @p2 .LBB2_5-.Ltmp3, $4  }
0xc4: {  	[tilespmem:v60+s21+$0x0] =	vst.idx.add.f32.msk $0xffff, v1  }
0xc5: {  	[tilespmem:v5+s22+$0x0] =	vst.idx.add.f32.msk $0xffff, v1  }
0xc6: {  	[tilespmem:v6+s23+$0x0] =	vst.idx.add.f32.msk $0xffff, v1  }
0xc7: {  	s4 =	sadd.s32 $0x200, s4;
	p1 =	por !p1, !p1;
	s13 =	sadd.s32 $0x400, s13;
	[tilespmem:v8+s24+$0x0] =	vst.idx.add.f32.msk $0xffff, v1  }
0xc8: {  	p1 =	seq.s32 s31, $0x7  }
0xc9: {  	s0 =	sadd.s32 @!p1 s0, s6  }
0xca: {  	s0 =	sshrl.u32 @!p1 s0, $0x3  }
0xcb: {  	s2 =	simm.s32 @!p1 $0x0;
	s0 =	sadd.s32 @!p1 s1, s0  }
0xcc: {  	[tilespmem:s2], [sflag:$0x1] =	stream.linear.gather @!p1 [hbm4b:s0+s2], $0x8000, $0x38;
	[tilespmem:$0x10E00] =	vst v63  }
0xcd: {  	_ =	swait.ge [sflag:s25], $0x8000  }
0xce: {  	s4 =	simm.s32 $0x0;
	s0 =	simm.s32 $0xFFFFFFFC;
	[sflag:s25] =	ssyncset.done $0x0  }
0xcf: {  	s2 =	simm.s32 $0x0;
	p1 =	por $0x0, $0x0;
	[sflag:s25] =	ssyncadd.s32 $0xFFFF8000  }
.LBB2_7:
0xd0: {  	s7 =	sand.u32 $0x7800, s2;
	s9 =	sand.u32 $0x200, s4  }
0xd1: {  	s13 =	sor.u32 s9, s7  }
0xd2: {  	v2 =	vld [tilespmem:s13+$0x8000]  }
0xd3: {  	v3 =	vld [tilespmem:s13+$0x8010]  }
0xd4: {  	v4 =	vld [tilespmem:s13+$0x8020]  }
0xd5: {  	v5 =	vld [tilespmem:s13+$0x8030]  }
0xd6: {  	v6 =	vld [tilespmem:s13+$0x8040]  }
0xd7: {  	v7 =	vld [tilespmem:s13+$0x8050]  }
0xd8: {  	v8 =	vld [tilespmem:s13+$0x8060]  }
0xd9: {  	v9 =	vld [tilespmem:s13+$0x8070]  }
0xda: {  	v41 =	vld [tilespmem:s13+$0x8080]  }
0xdb: {  	v42 =	vld [tilespmem:s13+$0x8090]  }
0xdc: {  	v43 =	vld [tilespmem:s13+$0x80B0]  }
0xdd: {  	v44 =	vld [tilespmem:s13+$0x80C0]  }
0xde: {  	s7 =	simm.s32 $0x1;
	v46 =	vld [tilespmem:s13+$0x80D0]  }
0xdf: {  	s7 =	simm.s32 @!p1 $0x0;
	v48 =	vld [tilespmem:s13+$0x80E0]  }
0xe0: {  	v49 =	vld [tilespmem:s13+$0x80F0];
	s7 =	sshll.u32 s7, $0x9  }
0xe1: {  	v18 =	vld [tilespmem:s13+$0x8160];
	s9 =	sadd.s32 s7, s2  }
0xe2: {  	v19 =	vld [tilespmem:s13+$0x8170];
	s7 =	sor.u32 $0x400, s9  }
0xe3: {  	s10 =	sor.u32 $0x410, s9;
	v10 =	vld [tilespmem:s7+$0x8000]  }
0xe4: {  	s29 =	sor.u32 $0x420, s9;
	v11 =	vld [tilespmem:s10+$0x8000]  }
0xe5: {  	v12 =	vld [tilespmem:s29+$0x8000];
	s10 =	sor.u32 $0x430, s9  }
0xe6: {  	s29 =	sor.u32 $0x440, s9;
	v13 =	vld [tilespmem:s10+$0x8000]  }
0xe7: {  	v14 =	vld [tilespmem:s29+$0x8000]  }
0xe8: {  	s10 =	sor.u32 $0x450, s9;
	v45 =	vmul.f32 $2.560000000e+02, v42;
	v42 =	vld [tilespmem:s13+$0x81C0]  }
0xe9: {  	s29 =	sor.u32 $0x460, s9;
	v15 =	vld [tilespmem:s10+$0x8000]  }
0xea: {  	s7 =	sadd.s32 $0x80, s9;
	v2 =	vmul.f32 $2.560000000e+02, v2;
	v3 =	vmul.f32 $2.560000000e+02, v3;
	v16 =	vld [tilespmem:s29+$0x8000];
	s10 =	sor.u32 $0x470, s9  }
0xeb: {  	v4 =	vmul.f32 $2.560000000e+02, v4;
	v5 =	vmul.f32 $2.560000000e+02, v5;
	s29 =	sor.u32 $0x410, s7;
	v17 =	vld [tilespmem:s10+$0x8000]  }
0xec: {  	v6 =	vmul.f32 $2.560000000e+02, v6;
	v7 =	vmul.f32 $2.560000000e+02, v7;
	v51 =	vld [tilespmem:s29+$0x8000]  }
0xed: {  	v8 =	vmul.f32 $2.560000000e+02, v8;
	v47 =	vtrunc.f32 v45;
	s10 =	sor.u32 $0x400, s7;
	v45 =	vld [tilespmem:s13+$0x81F0]  }
0xee: {  	v9 =	vmul.f32 $2.560000000e+02, v9;
	v2 =	vtrunc.f32 v2;
	s29 =	sor.u32 $0x420, s7;
	v50 =	vld [tilespmem:s10+$0x8000]  }
0xef: {  	v3 =	vtrunc.f32 v3;
	v4 =	vtrunc.f32 v4;
	v52 =	vld [tilespmem:s29+$0x8000];
	s29 =	sor.u32 $0x430, s7  }
0xf0: {  	v5 =	vtrunc.f32 v5;
	v6 =	vtrunc.f32 v6;
	v53 =	vld [tilespmem:s29+$0x8000];
	s29 =	sor.u32 $0x440, s7  }
0xf1: {  	v7 =	vtrunc.f32 v7;
	v8 =	vtrunc.f32 v8;
	v54 =	vld [tilespmem:s29+$0x8000]  }
0xf2: {  	v2 =	vcvt.f32.s32 v2;
	v33 =	vmul.f32 $2.560000000e+02, v13;
	v13 =	vld [tilespmem:s13+$0x8100]  }
0xf3: {  	v3 =	vcvt.f32.s32 v3;
	v36 =	vmul.f32 $2.560000000e+02, v14;
	s29 =	sor.u32 $0x450, s7;
	v14 =	vld [tilespmem:s13+$0x8110]  }
0xf4: {  	v9 =	vtrunc.f32 v9;
	v4 =	vcvt.f32.s32 v4;
	v55 =	vld [tilespmem:s29+$0x8000]  }
0xf5: {  	v5 =	vcvt.f32.s32 v5;
	v38 =	vmul.f32 $2.560000000e+02, v15;
	v15 =	vld [tilespmem:s13+$0x8120]  }
0xf6: {  	v6 =	vcvt.f32.s32 v6;
	v39 =	vmul.f32 $2.560000000e+02, v16;
	s29 =	sor.u32 $0x460, s7;
	v16 =	vld [tilespmem:s13+$0x8140]  }
0xf7: {  	v7 =	vcvt.f32.s32 v7;
	v10 =	vmul.f32 $2.560000000e+02, v10;
	v56 =	vld [tilespmem:s29+$0x8000]  }
0xf8: {  	v8 =	vcvt.f32.s32 v8;
	v9 =	vcvt.f32.s32 v9;
	[tilespmem:v2+s17+$0x0] =	vst.idx.add.f32.msk $0xffff, v1  }
0xf9: {  	v11 =	vmul.f32 $2.560000000e+02, v11;
	v10 =	vtrunc.f32 v10;
	[tilespmem:v3+s18+$0x0] =	vst.idx.add.f32.msk $0xffff, v1  }
0xfa: {  	v12 =	vmul.f32 $2.560000000e+02, v12;
	v2 =	vcvt.f32.s32 v10;
	[tilespmem:v4+s19+$0x0] =	vst.idx.add.f32.msk $0xffff, v1  }
0xfb: {  	v32 =	vtrunc.f32 v11;
	[tilespmem:v5+s20+$0x0] =	vst.idx.add.f32.msk $0xffff, v1  }
0xfc: {  	v34 =	vcvt.f32.s32 v32;
	v3 =	vtrunc.f32 v12;
	[tilespmem:v6+s21+$0x0] =	vst.idx.add.f32.msk $0xffff, v1  }
0xfd: {  	v35 =	vtrunc.f32 v33;
	v3 =	vcvt.f32.s32 v3;
	[tilespmem:v7+s22+$0x0] =	vst.idx.add.f32.msk $0xffff, v1  }
0xfe: {  	v37 =	vtrunc.f32 v36;
	v5 =	vcvt.f32.s32 v35;
	[tilespmem:v8+s23+$0x0] =	vst.idx.add.f32.msk $0xffff, v1  }
0xff: {  	v6 =	vcvt.f32.s32 v37;
	v7 =	vtrunc.f32 v38;
	[tilespmem:v9+s24+$0x0] =	vst.idx.add.f32.msk $0xffff, v1  }
0x100: {  	s7 =	sor.u32 $0x470, s7;
	[tilespmem:v2+s17+$0x0] =	vst.idx.add.f32.msk $0xffff, v1;
	v2 =	vcvt.f32.s32 v7  }
0x101: {  	v57 =	vld [tilespmem:s7+$0x8000]  }
0x102: {  	[tilespmem:v34+s18+$0x0] =	vst.idx.add.f32.msk $0xffff, v1  }
0x103: {  	[tilespmem:v3+s19+$0x0] =	vst.idx.add.f32.msk $0xffff, v1  }
0x104: {  	[tilespmem:v5+s20+$0x0] =	vst.idx.add.f32.msk $0xffff, v1  }
0x105: {  	v40 =	vmul.f32 $2.560000000e+02, v17;
	v3 =	vtrunc.f32 v39;
	[tilespmem:v6+s21+$0x0] =	vst.idx.add.f32.msk $0xffff, v1  }
0x106: {  	v11 =	vmul.f32 $2.560000000e+02, v51;
	v3 =	vcvt.f32.s32 v3;
	[tilespmem:v2+s22+$0x0] =	vst.idx.add.f32.msk $0xffff, v1  }
0x107: {  	s7 =	sadd.s32 $0x100, s9;
	v58 =	vmul.f32 $2.560000000e+02, v52;
	v4 =	vtrunc.f32 v40;
	v2 =	vld [tilespmem:s13+$0x80A0]  }
0x108: {  	v17 =	vld [tilespmem:s13+$0x8150];
	s29 =	sor.u32 $0x400, s7;
	v10 =	vmul.f32 $2.560000000e+02, v50;
	v4 =	vcvt.f32.s32 v4  }
0x109: {  	v59 =	vmul.f32 $2.560000000e+02, v53;
	v20 =	vld [tilespmem:s29+$0x8000];
	s29 =	sor.u32 $0x410, s7;
	v8 =	vmul.f32 $2.560000000e+02, v44  }
0x10a: {  	v21 =	vld [tilespmem:s29+$0x8000];
	s29 =	sor.u32 $0x420, s7;
	v9 =	vmul.f32 $2.560000000e+02, v49;
	v5 =	vmul.f32 $2.560000000e+02, v41  }
0x10b: {  	v22 =	vld [tilespmem:s29+$0x8000];
	v7 =	vmul.f32 $2.560000000e+02, v43;
	v8 =	vtrunc.f32 v8  }
0x10c: {  	[tilespmem:v3+s23+$0x0] =	vst.idx.add.f32.msk $0xffff, v1;
	v3 =	vtrunc.f32 v5;
	v2 =	vmul.f32 $2.560000000e+02, v2  }
0x10d: {  	v40 =	vld [tilespmem:s13+$0x81B0];
	v7 =	vtrunc.f32 v7;
	v3 =	vcvt.f32.s32 v3  }
0x10e: {  	s29 =	sor.u32 $0x430, s7;
	[tilespmem:v4+s24+$0x0] =	vst.idx.add.f32.msk $0xffff, v1;
	v4 =	vcvt.f32.s32 v47;
	v2 =	vtrunc.f32 v2  }
0x10f: {  	v23 =	vld [tilespmem:s29+$0x8000];
	v6 =	vmul.f32 $2.560000000e+02, v46;
	v2 =	vcvt.f32.s32 v2  }
0x110: {  	s29 =	sor.u32 $0x440, s7;
	v35 =	vld [tilespmem:s13+$0x8180];
	v7 =	vcvt.f32.s32 v7;
	v5 =	vmul.f32 $2.560000000e+02, v48  }
0x111: {  	v24 =	vld [tilespmem:s29+$0x8000];
	v8 =	vcvt.f32.s32 v8;
	v6 =	vtrunc.f32 v6  }
0x112: {  	v37 =	vld [tilespmem:s13+$0x8190];
	v6 =	vcvt.f32.s32 v6;
	v5 =	vtrunc.f32 v5  }
0x113: {  	v9 =	vtrunc.f32 v9;
	v5 =	vcvt.f32.s32 v5;
	[tilespmem:v3+s17+$0x0] =	vst.idx.add.f32.msk $0xffff, v1  }
0x114: {  	v10 =	vtrunc.f32 v10;
	v9 =	vcvt.f32.s32 v9;
	[tilespmem:v4+s18+$0x0] =	vst.idx.add.f32.msk $0xffff, v1  }
0x115: {  	v10 =	vcvt.f32.s32 v10;
	v3 =	vtrunc.f32 v11;
	[tilespmem:v2+s19+$0x0] =	vst.idx.add.f32.msk $0xffff, v1  }
0x116: {  	v3 =	vcvt.f32.s32 v3;
	v2 =	vtrunc.f32 v58;
	[tilespmem:v7+s20+$0x0] =	vst.idx.add.f32.msk $0xffff, v1  }
0x117: {  	v60 =	vmul.f32 $2.560000000e+02, v54;
	v2 =	vcvt.f32.s32 v2;
	[tilespmem:v8+s21+$0x0] =	vst.idx.add.f32.msk $0xffff, v1  }
0x118: {  	v63 =	vmul.f32 $2.560000000e+02, v55;
	[tilespmem:v6+s22+$0x0] =	vst.idx.add.f32.msk $0xffff, v1  }
0x119: {  	v61 =	vtrunc.f32 v60;
	v4 =	vtrunc.f32 v59;
	[tilespmem:v5+s23+$0x0] =	vst.idx.add.f32.msk $0xffff, v1  }
0x11a: {  	v12 =	vmul.f32 $2.560000000e+02, v56;
	v4 =	vcvt.f32.s32 v4;
	[tilespmem:v9+s24+$0x0] =	vst.idx.add.f32.msk $0xffff, v1  }
0x11b: {  	v62 =	vcvt.f32.s32 v61;
	v11 =	vtrunc.f32 v63;
	[tilespmem:v10+s17+$0x0] =	vst.idx.add.f32.msk $0xffff, v1  }
0x11c: {  	v5 =	vcvt.f32.s32 v11;
	[tilespmem:v3+s18+$0x0] =	vst.idx.add.f32.msk $0xffff, v1;
	v3 =	vtrunc.f32 v12  }
0x11d: {  	s29 =	sor.u32 $0x450, s7;
	[tilespmem:v2+s19+$0x0] =	vst.idx.add.f32.msk $0xffff, v1;
	v2 =	vcvt.f32.s32 v3  }
0x11e: {  	v25 =	vld [tilespmem:s29+$0x8000];
	s29 =	sor.u32 $0x460, s7  }
0x11f: {  	v26 =	vld [tilespmem:s29+$0x8000];
	v29 =	vmul.f32 $2.560000000e+02, v22  }
0x120: {  	v3 =	vmul.f32 $2.560000000e+02, v57;
	[tilespmem:v4+s20+$0x0] =	vst.idx.add.f32.msk $0xffff, v1  }
0x121: {  	v31 =	vmul.f32 $2.560000000e+02, v23;
	v30 =	vtrunc.f32 v29;
	[tilespmem:v62+s21+$0x0] =	vst.idx.add.f32.msk $0xffff, v1  }
0x122: {  	v33 =	vmul.f32 $2.560000000e+02, v24;
	v3 =	vtrunc.f32 v3;
	[tilespmem:v5+s22+$0x0] =	vst.idx.add.f32.msk $0xffff, v1  }
0x123: {  	v7 =	vmul.f32 $2.560000000e+02, v16;
	v3 =	vcvt.f32.s32 v3;
	[tilespmem:v2+s23+$0x0] =	vst.idx.add.f32.msk $0xffff, v1  }
0x124: {  	s7 =	sor.u32 $0x470, s7;
	v8 =	vmul.f32 $2.560000000e+02, v17;
	v6 =	vmul.f32 $2.560000000e+02, v14;
	v2 =	vld [tilespmem:s13+$0x8130]  }
0x125: {  	v27 =	vld [tilespmem:s7+$0x8000];
	v7 =	vtrunc.f32 v7;
	v4 =	vmul.f32 $2.560000000e+02, v13  }
0x126: {  	v44 =	vld [tilespmem:s13+$0x81E0];
	s7 =	sadd.s32 $0x180, s9;
	v8 =	vtrunc.f32 v8;
	v7 =	vcvt.f32.s32 v7  }
0x127: {  	s10 =	sor.u32 $0x410, s7;
	v43 =	vld [tilespmem:s13+$0x81D0];
	v11 =	vmul.f32 $2.560000000e+02, v21;
	v4 =	vtrunc.f32 v4  }
0x128: {  	v49 =	vld [tilespmem:s10+$0x8000];
	v5 =	vmul.f32 $2.560000000e+02, v15;
	v4 =	vcvt.f32.s32 v4  }
0x129: {  	s29 =	sor.u32 $0x430, s7;
	[tilespmem:v3+s24+$0x0] =	vst.idx.add.f32.msk $0xffff, v1;
	v3 =	vtrunc.f32 v6;
	v2 =	vmul.f32 $2.560000000e+02, v2  }
0x12a: {  	v51 =	vld [tilespmem:s29+$0x8000];
	s10 =	sor.u32 $0x440, s7;
	v5 =	vtrunc.f32 v5;
	v3 =	vcvt.f32.s32 v3  }
0x12b: {  	s29 =	sor.u32 $0x460, s7;
	v52 =	vld [tilespmem:s10+$0x8000];
	v5 =	vcvt.f32.s32 v5;
	v2 =	vtrunc.f32 v2  }
0x12c: {  	v54 =	vld [tilespmem:s29+$0x8000];
	v6 =	vmul.f32 $2.560000000e+02, v18;
	v2 =	vcvt.f32.s32 v2  }
0x12d: {  	v39 =	vld [tilespmem:s13+$0x81A0];
	v8 =	vcvt.f32.s32 v8;
	v9 =	vmul.f32 $2.560000000e+02, v19;
	s13 =	sor.u32 $0x420, s7  }
0x12e: {  	v10 =	vmul.f32 $2.560000000e+02, v20;
	v50 =	vld [tilespmem:s13+$0x8000];
	v6 =	vtrunc.f32 v6  }
0x12f: {  	v9 =	vtrunc.f32 v9;
	[tilespmem:v4+s17+$0x0] =	vst.idx.add.f32.msk $0xffff, v1;
	v6 =	vcvt.f32.s32 v6  }
0x130: {  	v9 =	vcvt.f32.s32 v9;
	v10 =	vtrunc.f32 v10;
	[tilespmem:v3+s18+$0x0] =	vst.idx.add.f32.msk $0xffff, v1  }
0x131: {  	v28 =	vtrunc.f32 v11;
	v3 =	vcvt.f32.s32 v10;
	[tilespmem:v5+s19+$0x0] =	vst.idx.add.f32.msk $0xffff, v1  }
0x132: {  	v32 =	vtrunc.f32 v31;
	v4 =	vcvt.f32.s32 v28;
	[tilespmem:v2+s20+$0x0] =	vst.idx.add.f32.msk $0xffff, v1  }
0x133: {  	v34 =	vmul.f32 $2.560000000e+02, v25;
	v2 =	vcvt.f32.s32 v30;
	[tilespmem:v7+s21+$0x0] =	vst.idx.add.f32.msk $0xffff, v1  }
0x134: {  	v36 =	vmul.f32 $2.560000000e+02, v26;
	v11 =	vmul.f32 $2.560000000e+02, v45;
	[tilespmem:v8+s22+$0x0] =	vst.idx.add.f32.msk $0xffff, v1  }
0x135: {  	v38 =	vmul.f32 $2.560000000e+02, v27;
	v61 =	vmul.f32 $2.560000000e+02, v54;
	[tilespmem:v6+s23+$0x0] =	vst.idx.add.f32.msk $0xffff, v1  }
0x136: {  	v11 =	vtrunc.f32 v11;
	v57 =	vmul.f32 $2.560000000e+02, v52;
	[tilespmem:v9+s24+$0x0] =	vst.idx.add.f32.msk $0xffff, v1  }
0x137: {  	v5 =	vcvt.f32.s32 v32;
	[tilespmem:v3+s17+$0x0] =	vst.idx.add.f32.msk $0xffff, v1;
	v3 =	vtrunc.f32 v33  }
0x138: {  	v11 =	vcvt.f32.s32 v11;
	[tilespmem:v4+s18+$0x0] =	vst.idx.add.f32.msk $0xffff, v1;
	v3 =	vcvt.f32.s32 v3  }
0x139: {  	v13 =	vmul.f32 $2.560000000e+02, v51;
	[tilespmem:v2+s19+$0x0] =	vst.idx.add.f32.msk $0xffff, v1;
	v2 =	vtrunc.f32 v34  }
0x13a: {  	v10 =	vmul.f32 $2.560000000e+02, v44;
	v2 =	vcvt.f32.s32 v2  }
0x13b: {  	v58 =	vtrunc.f32 v57;
	v12 =	vmul.f32 $2.560000000e+02, v50  }
0x13c: {  	v10 =	vtrunc.f32 v10;
	v7 =	vtrunc.f32 v38  }
0x13d: {  	v41 =	vcvt.f32.s32 v7;
	v8 =	vmul.f32 $2.560000000e+02, v39;
	[tilespmem:v5+s20+$0x0] =	vst.idx.add.f32.msk $0xffff, v1  }
0x13e: {  	v6 =	vtrunc.f32 v36;
	[tilespmem:v3+s21+$0x0] =	vst.idx.add.f32.msk $0xffff, v1;
	v3 =	vmul.f32 $2.560000000e+02, v35  }
0x13f: {  	v7 =	vmul.f32 $2.560000000e+02, v42;
	v6 =	vcvt.f32.s32 v6  }
0x140: {  	[tilespmem:v2+s22+$0x0] =	vst.idx.add.f32.msk $0xffff, v1;
	v2 =	vtrunc.f32 v3;
	v3 =	vmul.f32 $2.560000000e+02, v37  }
0x141: {  	s9 =	sor.u32 $0x400, s7;
	v9 =	vmul.f32 $2.560000000e+02, v40;
	v8 =	vtrunc.f32 v8  }
0x142: {  	v47 =	vld [tilespmem:s9+$0x8000];
	v2 =	vcvt.f32.s32 v2;
	v3 =	vtrunc.f32 v3  }
0x143: {  	s13 =	sor.u32 $0x450, s7;
	v8 =	vcvt.f32.s32 v8;
	v3 =	vcvt.f32.s32 v3  }
0x144: {  	v53 =	vld [tilespmem:s13+$0x8000];
	v46 =	vtrunc.f32 v9;
	v5 =	vmul.f32 $2.560000000e+02, v43  }
0x145: {  	s7 =	sor.u32 $0x470, s7;
	v48 =	vtrunc.f32 v7;
	[tilespmem:v6+s23+$0x0] =	vst.idx.add.f32.msk $0xffff, v1;
	v6 =	vcvt.f32.s32 v46  }
0x146: {  	v55 =	vld [tilespmem:s7+$0x8000];
	v4 =	vcvt.f32.s32 v48;
	v5 =	vtrunc.f32 v5  }
0x147: {  	v9 =	vmul.f32 $2.560000000e+02, v47;
	v5 =	vcvt.f32.s32 v5;
	[tilespmem:v41+s24+$0x0] =	vst.idx.add.f32.msk $0xffff, v1  }
0x148: {  	v10 =	vcvt.f32.s32 v10;
	v7 =	vmul.f32 $2.560000000e+02, v49;
	[tilespmem:v2+s17+$0x0] =	vst.idx.add.f32.msk $0xffff, v1  }
0x149: {  	v59 =	vmul.f32 $2.560000000e+02, v53;
	v9 =	vtrunc.f32 v9;
	[tilespmem:v3+s18+$0x0] =	vst.idx.add.f32.msk $0xffff, v1  }
0x14a: {  	v7 =	vtrunc.f32 v7;
	v9 =	vcvt.f32.s32 v9;
	[tilespmem:v8+s19+$0x0] =	vst.idx.add.f32.msk $0xffff, v1  }
0x14b: {  	v56 =	vtrunc.f32 v12;
	v2 =	vcvt.f32.s32 v7;
	[tilespmem:v6+s20+$0x0] =	vst.idx.add.f32.msk $0xffff, v1  }
0x14c: {  	v7 =	vcvt.f32.s32 v56;
	v3 =	vtrunc.f32 v13;
	[tilespmem:v4+s21+$0x0] =	vst.idx.add.f32.msk $0xffff, v1  }
0x14d: {  	v60 =	vcvt.f32.s32 v58;
	v3 =	vcvt.f32.s32 v3;
	[tilespmem:v5+s22+$0x0] =	vst.idx.add.f32.msk $0xffff, v1  }
0x14e: {  	v63 =	vmul.f32 $2.560000000e+02, v55;
	v62 =	vtrunc.f32 v59;
	[tilespmem:v10+s23+$0x0] =	vst.idx.add.f32.msk $0xffff, v1  }
0x14f: {  	v6 =	vtrunc.f32 v61;
	v5 =	vcvt.f32.s32 v62;
	[tilespmem:v11+s24+$0x0] =	vst.idx.add.f32.msk $0xffff, v1  }
0x150: {  	v8 =	vtrunc.f32 v63;
	v6 =	vcvt.f32.s32 v6;
	[tilespmem:v9+s17+$0x0] =	vst.idx.add.f32.msk $0xffff, v1  }
0x151: {  	s0 =	sadd.s32 $0x4, s0;
	v8 =	vcvt.f32.s32 v8;
	[tilespmem:v2+s18+$0x0] =	vst.idx.add.f32.msk $0xffff, v1  }
0x152: {  	p2 =	slt.u32 s0, $0x7C;
	[tilespmem:v7+s19+$0x0] =	vst.idx.add.f32.msk $0xffff, v1  }
.Ltmp4:
0x153: {  	[tilespmem:v3+s20+$0x0] =	vst.idx.add.f32.msk $0xffff, v1;
	(pc) =	sbr.rel @p2 .LBB2_7-.Ltmp4, $4  }
0x154: {  	[tilespmem:v60+s21+$0x0] =	vst.idx.add.f32.msk $0xffff, v1  }
0x155: {  	[tilespmem:v5+s22+$0x0] =	vst.idx.add.f32.msk $0xffff, v1  }
0x156: {  	[tilespmem:v6+s23+$0x0] =	vst.idx.add.f32.msk $0xffff, v1  }
0x157: {  	s4 =	sadd.s32 $0x200, s4;
	p1 =	por !p1, !p1;
	s2 =	sadd.s32 $0x400, s2;
	[tilespmem:v8+s24+$0x0] =	vst.idx.add.f32.msk $0xffff, v1  }
0x158: {  	s31 =	sadd.s32 $0x1, s31  }
0x159: {  	p1 =	sne.s32 s31, $0x8  }
.Ltmp5:
0x15a: {  	_ = 	snop;
	(pc) =	sbr.rel @p1 .LBB2_4-.Ltmp5, $1  }
0x15b: {  	_ =	sdelay $0x3  }
0x15c: {  	s2 =	simm.s32 $0x0  }
0x15d: {  	v2 =	vld [tilespmem:s2+$0x10000]  }
0x15e: {  	v3 =	vld [tilespmem:s2+$0x10100];
	_ =	sdelay $0x1  }
0x15f: {  	v4 =	vld [tilespmem:s2+$0x10200];
	_ =	sdelay $0x1  }
0x160: {  	v5 =	vld [tilespmem:s2+$0x10300]  }
0x161: {  	v6 =	vld [tilespmem:s2+$0x10500];
	v2 =	vadd.f32 v3, v2  }
0x162: {  	s0 =	simm.s32 $0x10;
	v3 =	vld [tilespmem:s2+$0x10400]  }
0x163: {  	v7 =	vld [tilespmem:s0+$0x10000];
	v2 =	vadd.f32 v4, v2  }
0x164: {  	v8 =	vld [tilespmem:s0+$0x10100]  }
0x165: {  	v9 =	vld [tilespmem:s2+$0x10600];
	v2 =	vadd.f32 v5, v2  }
0x166: {  	v10 =	vld [tilespmem:s0+$0x10200]  }
0x167: {  	v4 =	vld [tilespmem:s2+$0x10700];
	v5 =	vadd.f32 v3, v2  }
0x168: {  	v3 =	vld [tilespmem:s0+$0x10300]  }
0x169: {  	v7 =	vadd.f32 v8, v7;
	v2 =	vld [tilespmem:s0+$0x10500];
	v8 =	vadd.f32 v6, v5  }
0x16a: {  	s4 =	simm.s32 $0x20;
	v5 =	vld [tilespmem:s0+$0x10400]  }
0x16b: {  	s9 =	simm.s32 $0xC0;
	v7 =	vadd.f32 v10, v7;
	v6 =	vld [tilespmem:s4+$0x10000];
	v8 =	vadd.f32 v9, v8  }
.LBB2_10:
0x16c: {  	p1 =	sne.s32 s9, $0x3C0;
	v9 =	vld [tilespmem:s4+$0x10100]  }
0x16d: {  	v3 =	vadd.f32 v3, v7;
	v10 =	vld [tilespmem:s0+$0x10600];
	v7 =	vadd.f32 v4, v8  }
0x16e: {  	v8 =	vld [tilespmem:s4+$0x10200]  }
.Ltmp6:
0x16f: {  	v5 =	vadd.f32 v5, v3;
	v4 =	vld [tilespmem:s0+$0x10700];
	[tilespmem:s2+$0x10800] =	vst v7;
	s2 =	smov.u32 s0;
	s0 =	smov.u32 s4;
	(pc) =	sbr.rel @p1 .LBB2_10-.Ltmp6, $4  }
0x170: {  	v3 =	vld [tilespmem:s0+$0x10300]  }
0x171: {  	v7 =	vadd.f32 v9, v6;
	v9 =	vadd.f32 v2, v5;
	v2 =	vld [tilespmem:s0+$0x10500]  }
0x172: {  	s4 =	sshra.s32 s9, $0x2;
	v5 =	vld [tilespmem:s0+$0x10400]  }
0x173: {  	s9 =	sadd.s32 $0x40, s9;
	v6 =	vld [tilespmem:s4+$0x10000];
	v7 =	vadd.f32 v8, v7;
	v8 =	vadd.f32 v10, v9  }
0x174: {  	v9 =	vld [tilespmem:s4+$0x10100]  }
0x175: {  	v10 =	vld [tilespmem:s0+$0x10600];
	v4 =	vadd.f32 v4, v8  }
0x176: {  	v60 =	vld [tilespmem:s4+$0x10200]  }
0x177: {  	v11 =	vld [tilespmem:s0+$0x10700];
	[tilespmem:s2+$0x10800] =	vst v4  }
0x178: {  	v4 =	vld [tilespmem:s4+$0x10300]  }
0x179: {  	v6 =	vadd.f32 v9, v6  }
0x17a: {  	v61 =	vld [tilespmem:s4+$0x10400]  }
0x17b: {  	v6 =	vadd.f32 v60, v6  }
0x17c: {  	v3 =	vadd.f32 v3, v7;
	v62 =	vld [tilespmem:s4+$0x10500]  }
0x17d: {  	v4 =	vadd.f32 v4, v6  }
0x17e: {  	v3 =	vadd.f32 v5, v3;
	v63 =	vld [tilespmem:s4+$0x10600]  }
0x17f: {  	v4 =	vadd.f32 v61, v4  }
0x180: {  	v2 =	vadd.f32 v2, v3;
	v3 =	vld [tilespmem:s4+$0x10700]  }
0x181: {  	v4 =	vadd.f32 v62, v4  }
0x182: {  	v2 =	vadd.f32 v10, v2  }
0x183: {  	v4 =	vadd.f32 v63, v4  }
0x184: {  	v2 =	vadd.f32 v11, v2  }
0x185: {  	v3 =	vadd.f32 v3, v4  }
0x186: {  	[tilespmem:s0+$0x10800] =	vst v2  }
0x187: {  	s31 =	simm.s32 $0x10800;
	[tilespmem:s4+$0x10800] =	vst v3  }
0x188: {  	[spmem:s8] =	stream.strided.scatter [tilespmem:s31], [sflag:$0x3], $0x100, s28, s26, $0x38;
	[tilespmem:$0x10E00] =	vst v63  }
.Ltmp7:
0x189: {  	_ =	swait.ge [sflag:s14], $0x100;
	(pc) =	sbr.rel @p0 .LBB2_15-.Ltmp7, $3  }
0x18a: {  	[sflag:s14] =	ssyncset.done $0x0  }
0x18b: {  	[sflag:s14] =	ssyncadd.s32 $0xFFFFFF00  }
0x18c: {  	[bflag:$0x0] =	sbarrier.arrive $0xFFFF;
	_ =	sdelay $0x1  }
0x18d: {  	s0 =	rddreg [dreg:$0x5];
	s2 =	simm.s32 $0x10A00  }
0x18e: {  	[tilespmem:s2], [sflag:$0x3] =	stream.strided.gather [spmem:s0], $0x100, s28, s26, $0x38;
	[tilespmem:$0x10E00] =	vst v63  }
0x18f: {  	_ =	swait.ge [sflag:s14], $0x100  }
0x190: {  	[sflag:s14] =	ssyncset.done $0x0  }
0x191: {  	s31 =	simm.s32 $0x10B00;
	s29 =	rddreg [dreg:$0x6];
	[sflag:s14] =	ssyncadd.s32 $0xFFFFFF00  }
0x192: {  	[tilespmem:s31], [sflag:$0x3] =	stream.strided.gather [spmem:s29], $0x100, s28, s26, $0x38;
	[tilespmem:$0x10E00] =	vst v63  }
0x193: {  	_ =	swait.ge [sflag:s14], $0x100  }
0x194: {  	[sflag:s14] =	ssyncset.done $0x0  }
0x195: {  	s0 =	simm.s32 $0x0;
	[sflag:s14] =	ssyncadd.s32 $0xFFFFFF00  }
0x196: {  	v2 =	vld [tilespmem:s0+$0x10A00]  }
0x197: {  	v3 =	vld [tilespmem:s0+$0x10B00];
	_ =	sdelay $0x1  }
0x198: {  	v4 =	vld [tilespmem:s0+$0x10900]  }
0x199: {  	s2 =	simm.s32 $0x40  }
.LBB2_13:
0x19a: {  	s4 =	sshra.s32 s2, $0x2;
	p1 =	sne.s32 s2, $0x3C0  }
.Ltmp8:
0x19b: {  	s2 =	sadd.s32 $0x40, s2;
	v5 =	vadd.f32 v3, v2;
	v2 =	vld [tilespmem:s4+$0x10A00];
	(pc) =	sbr.rel @p1 .LBB2_13-.Ltmp8, $4  }
0x19c: {  	v3 =	vld [tilespmem:s4+$0x10B00]  }
0x19d: {  	v5 =	vmul.f32 v4, v5  }
0x19e: {  	v4 =	vld [tilespmem:s4+$0x10900]  }
0x19f: {  	[tilespmem:s0+$0x10C00] =	vst v5;
	s0 =	smov.u32 s4  }
.Ltmp9:
0x1a0: {  	_ = 	snop;
	(pc) =	sbr.rel .LBB2_14-.Ltmp9, $1  }
0x1a1: {  	_ =	sdelay $0x3  }
.LBB2_16:
0x1a2: {  	_ =	sfence.sel $0x180000  }
0x1a3: {  	[bflag:$0x0] =	sbarrier.arrive $0xFFFF  }
0x1a4: {  	_ =	strace $0x90000047  }
0x1a5: {  	s0 =	stileid.u32;
	[bflag:$0x2] =	sbarrier.arrive $0xFFFF  }
0x1a6: {  	p0 =	sne.s32 s0, $0x0;
	s0 =	rddreg [dreg:$0x4]  }
0x1a7: {  	s0 =	sadd.s32 @!p0 $0x100000, s0  }
0x1a8: {  	[sflag:s0] =	ssyncadd.tile.s32 @!p0 $0x1;
	_ =	shalt  }
.Lfunc_end2:
_tile_overlayer_lowered:
.L_overlay_start_2:
0x1a9: {  	(tag) =	ssettag $0x2  }
0x1aa: {  	s0 =	rddreg [dreg:$0x0];
	s2 =	stileid.u32  }
0x1ab: {  	s1 =	rddreg [dreg:$0x1];
	p0 =	sne.s32 s2, $0x0  }
0x1ac: {  	s3 =	rddreg [dreg:$0x2];
	[bflag:$0x3] =	sbarrier.arrive $0xFFFF;
	s2 =	simm.s32 @!p0 $0x1C03  }
0x1ad: {  	[timem:s3], [sflag:s2] =	dma.local @!p0 [hbm:s0], s1  }
0x1ae: {  	s0 =	simm.s32 @!p0 $0x3  }
0x1af: {  	_ =	swait.ge @!p0 [sflag:s0], s1  }
0x1b0: {  	s1 =	ssub.s32 @!p0 $0x0, s1;
	[sflag:s0] =	ssyncset.done @!p0 $0x0  }
0x1b1: {  	[sflag:s0] =	ssyncadd.s32 @!p0 s1  }
0x1b2: {  	[bflag:$0x3] =	sbarrier.arrive $0xFFFF  }
0x1b3: {  	_ =	shalt  }

</sc_bundles>
